<compile_context>
chip_gen: v7x
topology: tpu7x:2x2x1
jax: 0.10.2.dev20260603
libtpu: 0.0.44.dev20260713+nightly
codegen_flags: <defaults>
</compile_context>

<pallas_src>
import functools

import jax
import jax.numpy as jnp
from jax import lax
from jax.experimental import pallas as pl
from jax.experimental.pallas import tpu as pltpu
from jax.experimental.pallas import tpu_sc as plsc

VOCAB = 1000
VPAD = 1024
N_TOK = 1024 * 50
NW = 32
ROWS_PER_W = N_TOK // NW
G = 16
GROUPS = ROWS_PER_W // G
NBUF = 4


def _lse_body(table_ref, out_ref):
    x = table_ref[...]
    m = jnp.max(x, axis=1, keepdims=True)
    s = jnp.sum(jnp.exp(x - m), axis=1, keepdims=True)
    out_ref[...] = m + jnp.log(s)


def _sc_body(table_hbm, idx_hbm, tgt_hbm, lse_hbm,
             out_hbm, part_hbm,
             idx_v, tgt_v, lse_v, r0, r1, r2, r3, acc_v,
             sg0, sg1, sg2, sg3, so0, so1, so2, so3):
    rows = (r0, r1, r2, r3)
    semg = (sg0, sg1, sg2, sg3)
    semo = (so0, so1, so2, so3)
    wid = lax.axis_index("s") * 2 + lax.axis_index("c")
    base = wid * ROWS_PER_W

    pltpu.sync_copy(idx_hbm.at[pl.ds(base, ROWS_PER_W)], idx_v)
    pltpu.sync_copy(tgt_hbm.at[pl.ds(base, ROWS_PER_W)], tgt_v)
    pltpu.sync_copy(lse_hbm, lse_v)

    iota = lax.iota(jnp.int32, G)

    def start_gather(g, b):
        idx16 = idx_v[pl.ds(g * G, G)]
        pltpu.async_copy(table_hbm.at[idx16], rows[b], semg[b])

    def wait_gather(b):
        pltpu.make_async_copy(table_hbm.at[iota], rows[b], semg[b]).wait()

    def start_out(g, b):
        pltpu.async_copy(rows[b], out_hbm.at[pl.ds(base + g * G, G)], semo[b])

    def wait_out(b):
        pltpu.make_async_copy(rows[b], out_hbm.at[pl.ds(0, G)],
                              semo[b]).wait()

    for b in range(NBUF):
        start_gather(b, b)

    def body(k, acc):
        for b in range(NBUF):
            g = k * NBUF + b
            wait_gather(b)
            idx16 = idx_v[pl.ds(g * G, G)]
            tg16 = tgt_v[pl.ds(g * G, G)]
            vals = plsc.load_gather(rows[b], [iota, tg16])
            lsev = plsc.load_gather(lse_v, [idx16])
            acc = acc + (vals - lsev)
            start_out(g, b)

            @pl.when(k + 1 < GROUPS // NBUF)
            def _():
                wait_out(b)
                start_gather(g + NBUF, b)

        return acc

    acc = lax.fori_loop(0, GROUPS // NBUF, body, jnp.zeros((G,), jnp.float32))
    for b in range(NBUF):
        wait_out(b)
    acc_v[...] = acc
    pltpu.sync_copy(acc_v, part_hbm.at[pl.ds(wid * G, G)])


def _final_body(part_ref, out_ref):
    out_ref[...] = jnp.full((1, 1), -jnp.sum(part_ref[...]) / N_TOK,
                            jnp.float32)


SLICE_BLK = 1024


def _slice_body(in_ref, out_ref):
    out_ref[...] = in_ref[:, :VOCAB]


@jax.jit
def kernel(idx, expected, table):
    idx_f = idx.reshape(-1)
    tgt_f = expected.reshape(-1)
    table_pad = jnp.pad(table, ((0, 0), (0, VPAD - VOCAB)))

    lse = pl.pallas_call(
        _lse_body,
        out_shape=jax.ShapeDtypeStruct((VOCAB, 1), jnp.float32),
    )(table)

    sc = pl.kernel(
        _sc_body,
        out_type=(
            jax.ShapeDtypeStruct((N_TOK, VPAD), jnp.float32),
            jax.ShapeDtypeStruct((NW * G,), jnp.float32),
        ),
        mesh=plsc.VectorSubcoreMesh(core_axis_name="c", subcore_axis_name="s"),
        compiler_params=pltpu.CompilerParams(needs_layout_passes=False),
        scratch_types=(
            pltpu.VMEM((ROWS_PER_W,), jnp.int32),
            pltpu.VMEM((ROWS_PER_W,), jnp.int32),
            pltpu.VMEM((VOCAB,), jnp.float32),
            pltpu.VMEM((G, VPAD), jnp.float32),
            pltpu.VMEM((G, VPAD), jnp.float32),
            pltpu.VMEM((G, VPAD), jnp.float32),
            pltpu.VMEM((G, VPAD), jnp.float32),
            pltpu.VMEM((G,), jnp.float32),
            pltpu.SemaphoreType.DMA,
            pltpu.SemaphoreType.DMA,
            pltpu.SemaphoreType.DMA,
            pltpu.SemaphoreType.DMA,
            pltpu.SemaphoreType.DMA,
            pltpu.SemaphoreType.DMA,
            pltpu.SemaphoreType.DMA,
            pltpu.SemaphoreType.DMA,
        ),
    )
    logits_pad, partials = sc(table_pad, idx_f, tgt_f, lse.reshape(-1))
    logits2 = logits_pad[:, :VOCAB]

    cost = pl.pallas_call(
        _final_body,
        out_shape=jax.ShapeDtypeStruct((1, 1), jnp.float32),
    )(partials)

    return (logits2, cost[0, 0])

# --- scband reference (transcript-rebuilt; emitter-appended) ---
"""Pipeline reference for scband-bigrame-lm-7318624272802 (READ-ONLY COPY).

The authoritative reference and input builder live on the scoring server;
editing this copy changes nothing except your own understanding.
"""

import jax, jax.numpy as jnp
import numpy as np

VOCAB = 1000
B, T = 1024, 50

def setup_inputs(seed: int = 0) -> dict:
    key = jax.random.key(seed)
    k1, k2, k3 = jax.random.split(key, 3)
    idx = jax.random.randint(k1, (B, T), 0, VOCAB)
    expected = jax.random.randint(k2, (B, T), 0, VOCAB)
    # nn.Embedding default init: N(0, 1)
    table = jax.random.normal(k3, (VOCAB, VOCAB), dtype=jnp.float32)
    return {"idx": idx, "expected": expected, "table": table}

def reference(idx, expected, table):
    # logits = self.token_embadding_table(idx)
    logits = jnp.take(table, idx, axis=0)  # [B, T, C]
    Bx, Tx, C = logits.shape
    logits2 = logits.reshape(Bx * Tx, C)
    tgt = expected.reshape(Bx * Tx)
    # F.cross_entropy(logits, expected)
    logp = jax.nn.log_softmax(logits2, axis=-1)
    cost = -jnp.mean(jnp.take_along_axis(logp, tgt[:, None], axis=1))
    return (logits2, cost)

if __name__ == "__main__":
    import jax
    _d = setup_inputs()
    print(jax.jit(kernel)(*tuple(_d.values())))

</pallas_src>

<mosaic_0001>
#map = affine_map<(d0, d1) -> (0, 0)>
#map1 = affine_map<(d0, d1) -> (0)>
module attributes {stable_mosaic.version = 14 : i64} {
  func.func @_sc_body(%arg0: i32, %arg1: i32, %arg2: memref<1000x1024xf32, #tpu.memory_space<hbm>>, %arg3: memref<51200xi32, #tpu.memory_space<hbm>>, %arg4: memref<51200xi32, #tpu.memory_space<hbm>>, %arg5: memref<1000xf32, #tpu.memory_space<hbm>>, %arg6: memref<51200x1024xf32, #tpu.memory_space<hbm>>, %arg7: memref<512xf32, #tpu.memory_space<hbm>>, %arg8: memref<1600xi32, #tpu.memory_space<vmem>>, %arg9: memref<1600xi32, #tpu.memory_space<vmem>>, %arg10: memref<1000xf32, #tpu.memory_space<vmem>>, %arg11: memref<16x1024xf32, #tpu.memory_space<vmem>>, %arg12: memref<16x1024xf32, #tpu.memory_space<vmem>>, %arg13: memref<16x1024xf32, #tpu.memory_space<vmem>>, %arg14: memref<16x1024xf32, #tpu.memory_space<vmem>>, %arg15: memref<16xf32, #tpu.memory_space<vmem>>, %arg16: memref<!tpu.dma_semaphore, #tpu.memory_space<semaphore_mem>>, %arg17: memref<!tpu.dma_semaphore, #tpu.memory_space<semaphore_mem>>, %arg18: memref<!tpu.dma_semaphore, #tpu.memory_space<semaphore_mem>>, %arg19: memref<!tpu.dma_semaphore, #tpu.memory_space<semaphore_mem>>, %arg20: memref<!tpu.dma_semaphore, #tpu.memory_space<semaphore_mem>>, %arg21: memref<!tpu.dma_semaphore, #tpu.memory_space<semaphore_mem>>, %arg22: memref<!tpu.dma_semaphore, #tpu.memory_space<semaphore_mem>>, %arg23: memref<!tpu.dma_semaphore, #tpu.memory_space<semaphore_mem>>) attributes {dimension_semantics = [#tpu.dimension_semantics<core_parallel>, #tpu.dimension_semantics<subcore_parallel>], iteration_bounds = array<i64: 2, 16>, scalar_prefetch = 0 : i64, scratch_operands = 16 : i64, tpu.core_type = #tpu.core_type<sc_vector_subcore>, window_params = [{transform_indices = #map}, {transform_indices = #map1}, {transform_indices = #map1}, {transform_indices = #map1}, {transform_indices = #map}, {transform_indices = #map1}]} {
    %mul3A = arith.constant 2 : i32
    %mul3A_0 = arith.muli %arg1, %mul3A : i32
    %add3A = arith.addi %mul3A_0, %arg0 : i32
    %mul3A_1 = arith.constant 1600 : i32
    %mul3A_2 = arith.muli %add3A, %mul3A_1 : i32
    "tpu.region"() ({
      %run_scoped3A = tpu.sem_alloc : memref<!tpu.dma_semaphore, #tpu.memory_space<semaphore_mem>>
      %dma_start3A_53 = tpu.memref_slice %arg3[%mul3A_2] : memref<51200xi32, #tpu.memory_space<hbm>> -> memref<1600xi32, #tpu.memory_space<hbm>>
      %dma_start3A_54 = tpu.memref_slice %arg3[%mul3A_2] : memref<51200xi32, #tpu.memory_space<hbm>> -> memref<1600xi32, #tpu.memory_space<hbm>>
      tpu.enqueue_dma source(%dma_start3A_54 : memref<1600xi32, #tpu.memory_space<hbm>>) target(%arg8 : memref<1600xi32, #tpu.memory_space<vmem>>) target_semaphore(%run_scoped3A : memref<!tpu.dma_semaphore, #tpu.memory_space<semaphore_mem>>)
      %dma_wait3A_55 = tpu.memref_slice %arg3[%mul3A_2] : memref<51200xi32, #tpu.memory_space<hbm>> -> memref<1600xi32, #tpu.memory_space<hbm>>
      %dma_wait3A_56 = tpu.memref_slice %arg3[%mul3A_2] : memref<51200xi32, #tpu.memory_space<hbm>> -> memref<1600xi32, #tpu.memory_space<hbm>>
      tpu.wait_dma2 semaphore(%run_scoped3A : memref<!tpu.dma_semaphore, #tpu.memory_space<semaphore_mem>>) src(%dma_wait3A_56 : memref<1600xi32, #tpu.memory_space<hbm>>) dst(%arg8 : memref<1600xi32, #tpu.memory_space<vmem>>)
      tpu.yield
    }) : () -> ()
    "tpu.region"() ({
      %run_scoped3A = tpu.sem_alloc : memref<!tpu.dma_semaphore, #tpu.memory_space<semaphore_mem>>
      %dma_start3A_53 = tpu.memref_slice %arg4[%mul3A_2] : memref<51200xi32, #tpu.memory_space<hbm>> -> memref<1600xi32, #tpu.memory_space<hbm>>
      %dma_start3A_54 = tpu.memref_slice %arg4[%mul3A_2] : memref<51200xi32, #tpu.memory_space<hbm>> -> memref<1600xi32, #tpu.memory_space<hbm>>
      tpu.enqueue_dma source(%dma_start3A_54 : memref<1600xi32, #tpu.memory_space<hbm>>) target(%arg9 : memref<1600xi32, #tpu.memory_space<vmem>>) target_semaphore(%run_scoped3A : memref<!tpu.dma_semaphore, #tpu.memory_space<semaphore_mem>>)
      %dma_wait3A_55 = tpu.memref_slice %arg4[%mul3A_2] : memref<51200xi32, #tpu.memory_space<hbm>> -> memref<1600xi32, #tpu.memory_space<hbm>>
      %dma_wait3A_56 = tpu.memref_slice %arg4[%mul3A_2] : memref<51200xi32, #tpu.memory_space<hbm>> -> memref<1600xi32, #tpu.memory_space<hbm>>
      tpu.wait_dma2 semaphore(%run_scoped3A : memref<!tpu.dma_semaphore, #tpu.memory_space<semaphore_mem>>) src(%dma_wait3A_56 : memref<1600xi32, #tpu.memory_space<hbm>>) dst(%arg9 : memref<1600xi32, #tpu.memory_space<vmem>>)
      tpu.yield
    }) : () -> ()
    "tpu.region"() ({
      %run_scoped3A = tpu.sem_alloc : memref<!tpu.dma_semaphore, #tpu.memory_space<semaphore_mem>>
      tpu.enqueue_dma source(%arg5 : memref<1000xf32, #tpu.memory_space<hbm>>) target(%arg10 : memref<1000xf32, #tpu.memory_space<vmem>>) target_semaphore(%run_scoped3A : memref<!tpu.dma_semaphore, #tpu.memory_space<semaphore_mem>>)
      tpu.wait_dma2 semaphore(%run_scoped3A : memref<!tpu.dma_semaphore, #tpu.memory_space<semaphore_mem>>) src(%arg5 : memref<1000xf32, #tpu.memory_space<hbm>>) dst(%arg10 : memref<1000xf32, #tpu.memory_space<vmem>>)
      tpu.yield
    }) : () -> ()
    %iota3A = tpu.iota {dimensions = array<i32: 0>} : vector<16xi32>
    %get3A = arith.constant 0 : index
    %get3A_3 = tpu.vector_load %arg8[%get3A] {strides = array<i32>} : memref<1600xi32, #tpu.memory_space<vmem>>, vector<16xi32>,
    %dma_start3A = arith.constant 0 : i32
    %dma_start3A_4 = arith.constant 0 : i32
    %dma_start3A_5 = tpu.memref_slice %arg2[%dma_start3A, %dma_start3A_4] : memref<1000x1024xf32, #tpu.memory_space<hbm>> -> memref<1000x1024xf32, #tpu.memory_space<hbm>>
    tpu.enqueue_indirect_dma source(%dma_start3A_5 : memref<1000x1024xf32, #tpu.memory_space<hbm>>) target(%arg11 : memref<16x1024xf32, #tpu.memory_space<vmem>>) offsets(%get3A_3 : vector<16xi32>) semaphore(%arg16 : memref<!tpu.dma_semaphore, #tpu.memory_space<semaphore_mem>>)
    %get3A_6 = arith.constant 16 : index
    %get3A_7 = tpu.vector_load %arg8[%get3A_6] {strides = array<i32>} : memref<1600xi32, #tpu.memory_space<vmem>>, vector<16xi32>,
    %dma_start3A_8 = arith.constant 0 : i32
    %dma_start3A_9 = arith.constant 0 : i32
    %dma_start3A_10 = tpu.memref_slice %arg2[%dma_start3A_8, %dma_start3A_9] : memref<1000x1024xf32, #tpu.memory_space<hbm>> -> memref<1000x1024xf32, #tpu.memory_space<hbm>>
    tpu.enqueue_indirect_dma source(%dma_start3A_10 : memref<1000x1024xf32, #tpu.memory_space<hbm>>) target(%arg12 : memref<16x1024xf32, #tpu.memory_space<vmem>>) offsets(%get3A_7 : vector<16xi32>) semaphore(%arg17 : memref<!tpu.dma_semaphore, #tpu.memory_space<semaphore_mem>>)
    %get3A_11 = arith.constant 32 : index
    %get3A_12 = tpu.vector_load %arg8[%get3A_11] {strides = array<i32>} : memref<1600xi32, #tpu.memory_space<vmem>>, vector<16xi32>,
    %dma_start3A_13 = arith.constant 0 : i32
    %dma_start3A_14 = arith.constant 0 : i32
    %dma_start3A_15 = tpu.memref_slice %arg2[%dma_start3A_13, %dma_start3A_14] : memref<1000x1024xf32, #tpu.memory_space<hbm>> -> memref<1000x1024xf32, #tpu.memory_space<hbm>>
    tpu.enqueue_indirect_dma source(%dma_start3A_15 : memref<1000x1024xf32, #tpu.memory_space<hbm>>) target(%arg13 : memref<16x1024xf32, #tpu.memory_space<vmem>>) offsets(%get3A_12 : vector<16xi32>) semaphore(%arg18 : memref<!tpu.dma_semaphore, #tpu.memory_space<semaphore_mem>>)
    %get3A_16 = arith.constant 48 : index
    %get3A_17 = tpu.vector_load %arg8[%get3A_16] {strides = array<i32>} : memref<1600xi32, #tpu.memory_space<vmem>>, vector<16xi32>,
    %dma_start3A_18 = arith.constant 0 : i32
    %dma_start3A_19 = arith.constant 0 : i32
    %dma_start3A_20 = tpu.memref_slice %arg2[%dma_start3A_18, %dma_start3A_19] : memref<1000x1024xf32, #tpu.memory_space<hbm>> -> memref<1000x1024xf32, #tpu.memory_space<hbm>>
    tpu.enqueue_indirect_dma source(%dma_start3A_20 : memref<1000x1024xf32, #tpu.memory_space<hbm>>) target(%arg14 : memref<16x1024xf32, #tpu.memory_space<vmem>>) offsets(%get3A_17 : vector<16xi32>) semaphore(%arg19 : memref<!tpu.dma_semaphore, #tpu.memory_space<semaphore_mem>>)
    %broadcast_in_dim3A = arith.constant 0.000000e+00 : f32
    %broadcast_in_dim3A_21 = vector.broadcast %broadcast_in_dim3A : f32 to vector<16xf32>
    %scan3A = arith.constant 0 : i32
    %scan3A_22 = arith.constant 25 : i32
    %scan3A_23 = arith.addi %scan3A, %scan3A_22 : i32
    %scan3A_24 = arith.constant 1 : i32
    %scan3A_25 = scf.for %scan3A_53 = %scan3A to %scan3A_23 step %scan3A_24 iter_args(%scan3A_54 = %broadcast_in_dim3A_21) -> (vector<16xf32>)  : i32 {
      %mul3A_55 = arith.constant 4 : i32
      %mul3A_56 = arith.muli %scan3A_53, %mul3A_55 : i32
      %add3A_57 = arith.constant 0 : i32
      %add3A_58 = arith.addi %mul3A_56, %add3A_57 : i32
      %dma_wait3A_59 = arith.constant 0 : i32
      %dma_wait3A_60 = arith.constant 0 : i32
      %dma_wait3A_61 = tpu.memref_slice %arg2[%dma_wait3A_59, %dma_wait3A_60] : memref<1000x1024xf32, #tpu.memory_space<hbm>> -> memref<1000x1024xf32, #tpu.memory_space<hbm>>
      tpu.wait_indirect_dma semaphore(%arg16 : memref<!tpu.dma_semaphore, #tpu.memory_space<semaphore_mem>>) src(%dma_wait3A_61 : memref<1000x1024xf32, #tpu.memory_space<hbm>>) dst(%arg11 : memref<16x1024xf32, #tpu.memory_space<vmem>>)
      %mul3A_62 = arith.constant 16 : i32
      %mul3A_63 = arith.muli %add3A_58, %mul3A_62 : i32
      %get3A_64 = arith.index_cast %mul3A_63 : i32 to index
      %get3A_65 = tpu.vector_load %arg8[%get3A_64] {strides = array<i32>} : memref<1600xi32, #tpu.memory_space<vmem>>, vector<16xi32>,
      %mul3A_66 = arith.constant 16 : i32
      %mul3A_67 = arith.muli %add3A_58, %mul3A_66 : i32
      %get3A_68 = arith.index_cast %mul3A_67 : i32 to index
      %get3A_69 = tpu.vector_load %arg9[%get3A_68] {strides = array<i32>} : memref<1600xi32, #tpu.memory_space<vmem>>, vector<16xi32>,
      %gather3A = tpu.vector_load_idx %arg11[%iota3A, %get3A_69] : memref<16x1024xf32, #tpu.memory_space<vmem>>[vector<16xi32>, vector<16xi32>], vector<16xf32>,
      %gather3A_70 = tpu.vector_load_idx %arg10[%get3A_65] : memref<1000xf32, #tpu.memory_space<vmem>>[vector<16xi32>], vector<16xf32>,
      %sub3A = arith.subf %gather3A, %gather3A_70 : vector<16xf32>
      %add3A_71 = arith.addf %scan3A_54, %sub3A : vector<16xf32>
      %mul3A_72 = arith.constant 16 : i32
      %mul3A_73 = arith.muli %add3A_58, %mul3A_72 : i32
      %add3A_74 = arith.addi %mul3A_2, %mul3A_73 : i32
      %dma_start3A_75 = arith.constant 0 : i32
      %dma_start3A_76 = tpu.memref_slice %arg6[%add3A_74, %dma_start3A_75] : memref<51200x1024xf32, #tpu.memory_space<hbm>> -> memref<16x1024xf32, #tpu.memory_space<hbm>>
      %dma_start3A_77 = arith.constant 0 : i32
      %dma_start3A_78 = tpu.memref_slice %arg6[%add3A_74, %dma_start3A_77] : memref<51200x1024xf32, #tpu.memory_space<hbm>> -> memref<16x1024xf32, #tpu.memory_space<hbm>>
      tpu.enqueue_dma source(%arg11 : memref<16x1024xf32, #tpu.memory_space<vmem>>) target(%dma_start3A_78 : memref<16x1024xf32, #tpu.memory_space<hbm>>) target_semaphore(%arg20 : memref<!tpu.dma_semaphore, #tpu.memory_space<semaphore_mem>>)
      %add3A_79 = arith.constant 1 : i32
      %add3A_80 = arith.addi %scan3A_53, %add3A_79 : i32
      %lt3A = arith.constant 25 : i32
      %lt3A_81 = arith.cmpi slt, %add3A_80, %lt3A : i32
      %convert_element_type3A = arith.extui %lt3A_81 : i1 to i32
      %cond3A = arith.constant 0 : i32
      %cond3A_82 = arith.cmpi ne, %convert_element_type3A, %cond3A : i32
      scf.if %cond3A_82 {
        %dma_wait3A_182 = arith.constant 0 : i32
        %dma_wait3A_183 = arith.constant 0 : i32
        %dma_wait3A_184 = tpu.memref_slice %arg6[%dma_wait3A_182, %dma_wait3A_183] : memref<51200x1024xf32, #tpu.memory_space<hbm>> -> memref<16x1024xf32, #tpu.memory_space<hbm>>
        %dma_wait3A_185 = arith.constant 0 : i32
        %dma_wait3A_186 = arith.constant 0 : i32
        %dma_wait3A_187 = tpu.memref_slice %arg6[%dma_wait3A_185, %dma_wait3A_186] : memref<51200x1024xf32, #tpu.memory_space<hbm>> -> memref<16x1024xf32, #tpu.memory_space<hbm>>
        tpu.wait_dma2 semaphore(%arg20 : memref<!tpu.dma_semaphore, #tpu.memory_space<semaphore_mem>>) src(%arg11 : memref<16x1024xf32, #tpu.memory_space<vmem>>) dst(%dma_wait3A_187 : memref<16x1024xf32, #tpu.memory_space<hbm>>)
        %add3A_188 = arith.constant 4 : i32
        %add3A_189 = arith.addi %add3A_58, %add3A_188 : i32
        %mul3A_190 = arith.constant 16 : i32
        %mul3A_191 = arith.muli %add3A_189, %mul3A_190 : i32
        %get3A_192 = arith.index_cast %mul3A_191 : i32 to index
        %get3A_193 = tpu.vector_load %arg8[%get3A_192] {strides = array<i32>} : memref<1600xi32, #tpu.memory_space<vmem>>, vector<16xi32>,
        %dma_start3A_194 = arith.constant 0 : i32
        %dma_start3A_195 = arith.constant 0 : i32
        %dma_start3A_196 = tpu.memref_slice %arg2[%dma_start3A_194, %dma_start3A_195] : memref<1000x1024xf32, #tpu.memory_space<hbm>> -> memref<1000x1024xf32, #tpu.memory_space<hbm>>
        tpu.enqueue_indirect_dma source(%dma_start3A_196 : memref<1000x1024xf32, #tpu.memory_space<hbm>>) target(%arg11 : memref<16x1024xf32, #tpu.memory_space<vmem>>) offsets(%get3A_193 : vector<16xi32>) semaphore(%arg16 : memref<!tpu.dma_semaphore, #tpu.memory_space<semaphore_mem>>)
      } else {
      }
      %mul3A_83 = arith.constant 4 : i32
      %mul3A_84 = arith.muli %scan3A_53, %mul3A_83 : i32
      %add3A_85 = arith.constant 1 : i32
      %add3A_86 = arith.addi %mul3A_84, %add3A_85 : i32
      %dma_wait3A_87 = arith.constant 0 : i32
      %dma_wait3A_88 = arith.constant 0 : i32
      %dma_wait3A_89 = tpu.memref_slice %arg2[%dma_wait3A_87, %dma_wait3A_88] : memref<1000x1024xf32, #tpu.memory_space<hbm>> -> memref<1000x1024xf32, #tpu.memory_space<hbm>>
      tpu.wait_indirect_dma semaphore(%arg17 : memref<!tpu.dma_semaphore, #tpu.memory_space<semaphore_mem>>) src(%dma_wait3A_89 : memref<1000x1024xf32, #tpu.memory_space<hbm>>) dst(%arg12 : memref<16x1024xf32, #tpu.memory_space<vmem>>)
      %mul3A_90 = arith.constant 16 : i32
      %mul3A_91 = arith.muli %add3A_86, %mul3A_90 : i32
      %get3A_92 = arith.index_cast %mul3A_91 : i32 to index
      %get3A_93 = tpu.vector_load %arg8[%get3A_92] {strides = array<i32>} : memref<1600xi32, #tpu.memory_space<vmem>>, vector<16xi32>,
      %mul3A_94 = arith.constant 16 : i32
      %mul3A_95 = arith.muli %add3A_86, %mul3A_94 : i32
      %get3A_96 = arith.index_cast %mul3A_95 : i32 to index
      %get3A_97 = tpu.vector_load %arg9[%get3A_96] {strides = array<i32>} : memref<1600xi32, #tpu.memory_space<vmem>>, vector<16xi32>,
      %gather3A_98 = tpu.vector_load_idx %arg12[%iota3A, %get3A_97] : memref<16x1024xf32, #tpu.memory_space<vmem>>[vector<16xi32>, vector<16xi32>], vector<16xf32>,
      %gather3A_99 = tpu.vector_load_idx %arg10[%get3A_93] : memref<1000xf32, #tpu.memory_space<vmem>>[vector<16xi32>], vector<16xf32>,
      %sub3A_100 = arith.subf %gather3A_98, %gather3A_99 : vector<16xf32>
      %add3A_101 = arith.addf %add3A_71, %sub3A_100 : vector<16xf32>
      %mul3A_102 = arith.constant 16 : i32
      %mul3A_103 = arith.muli %add3A_86, %mul3A_102 : i32
      %add3A_104 = arith.addi %mul3A_2, %mul3A_103 : i32
      %dma_start3A_105 = arith.constant 0 : i32
      %dma_start3A_106 = tpu.memref_slice %arg6[%add3A_104, %dma_start3A_105] : memref<51200x1024xf32, #tpu.memory_space<hbm>> -> memref<16x1024xf32, #tpu.memory_space<hbm>>
      %dma_start3A_107 = arith.constant 0 : i32
      %dma_start3A_108 = tpu.memref_slice %arg6[%add3A_104, %dma_start3A_107] : memref<51200x1024xf32, #tpu.memory_space<hbm>> -> memref<16x1024xf32, #tpu.memory_space<hbm>>
      tpu.enqueue_dma source(%arg12 : memref<16x1024xf32, #tpu.memory_space<vmem>>) target(%dma_start3A_108 : memref<16x1024xf32, #tpu.memory_space<hbm>>) target_semaphore(%arg21 : memref<!tpu.dma_semaphore, #tpu.memory_space<semaphore_mem>>)
      %add3A_109 = arith.constant 1 : i32
      %add3A_110 = arith.addi %scan3A_53, %add3A_109 : i32
      %lt3A_111 = arith.constant 25 : i32
      %lt3A_112 = arith.cmpi slt, %add3A_110, %lt3A_111 : i32
      %convert_element_type3A_113 = arith.extui %lt3A_112 : i1 to i32
      %cond3A_114 = arith.constant 0 : i32
      %cond3A_115 = arith.cmpi ne, %convert_element_type3A_113, %cond3A_114 : i32
      scf.if %cond3A_115 {
        %dma_wait3A_182 = arith.constant 0 : i32
        %dma_wait3A_183 = arith.constant 0 : i32
        %dma_wait3A_184 = tpu.memref_slice %arg6[%dma_wait3A_182, %dma_wait3A_183] : memref<51200x1024xf32, #tpu.memory_space<hbm>> -> memref<16x1024xf32, #tpu.memory_space<hbm>>
        %dma_wait3A_185 = arith.constant 0 : i32
        %dma_wait3A_186 = arith.constant 0 : i32
        %dma_wait3A_187 = tpu.memref_slice %arg6[%dma_wait3A_185, %dma_wait3A_186] : memref<51200x1024xf32, #tpu.memory_space<hbm>> -> memref<16x1024xf32, #tpu.memory_space<hbm>>
        tpu.wait_dma2 semaphore(%arg21 : memref<!tpu.dma_semaphore, #tpu.memory_space<semaphore_mem>>) src(%arg12 : memref<16x1024xf32, #tpu.memory_space<vmem>>) dst(%dma_wait3A_187 : memref<16x1024xf32, #tpu.memory_space<hbm>>)
        %add3A_188 = arith.constant 4 : i32
        %add3A_189 = arith.addi %add3A_86, %add3A_188 : i32
        %mul3A_190 = arith.constant 16 : i32
        %mul3A_191 = arith.muli %add3A_189, %mul3A_190 : i32
        %get3A_192 = arith.index_cast %mul3A_191 : i32 to index
        %get3A_193 = tpu.vector_load %arg8[%get3A_192] {strides = array<i32>} : memref<1600xi32, #tpu.memory_space<vmem>>, vector<16xi32>,
        %dma_start3A_194 = arith.constant 0 : i32
        %dma_start3A_195 = arith.constant 0 : i32
        %dma_start3A_196 = tpu.memref_slice %arg2[%dma_start3A_194, %dma_start3A_195] : memref<1000x1024xf32, #tpu.memory_space<hbm>> -> memref<1000x1024xf32, #tpu.memory_space<hbm>>
        tpu.enqueue_indirect_dma source(%dma_start3A_196 : memref<1000x1024xf32, #tpu.memory_space<hbm>>) target(%arg12 : memref<16x1024xf32, #tpu.memory_space<vmem>>) offsets(%get3A_193 : vector<16xi32>) semaphore(%arg17 : memref<!tpu.dma_semaphore, #tpu.memory_space<semaphore_mem>>)
      } else {
      }
      %mul3A_116 = arith.constant 4 : i32
      %mul3A_117 = arith.muli %scan3A_53, %mul3A_116 : i32
      %add3A_118 = arith.constant 2 : i32
      %add3A_119 = arith.addi %mul3A_117, %add3A_118 : i32
      %dma_wait3A_120 = arith.constant 0 : i32
      %dma_wait3A_121 = arith.constant 0 : i32
      %dma_wait3A_122 = tpu.memref_slice %arg2[%dma_wait3A_120, %dma_wait3A_121] : memref<1000x1024xf32, #tpu.memory_space<hbm>> -> memref<1000x1024xf32, #tpu.memory_space<hbm>>
      tpu.wait_indirect_dma semaphore(%arg18 : memref<!tpu.dma_semaphore, #tpu.memory_space<semaphore_mem>>) src(%dma_wait3A_122 : memref<1000x1024xf32, #tpu.memory_space<hbm>>) dst(%arg13 : memref<16x1024xf32, #tpu.memory_space<vmem>>)
      %mul3A_123 = arith.constant 16 : i32
      %mul3A_124 = arith.muli %add3A_119, %mul3A_123 : i32
      %get3A_125 = arith.index_cast %mul3A_124 : i32 to index
      %get3A_126 = tpu.vector_load %arg8[%get3A_125] {strides = array<i32>} : memref<1600xi32, #tpu.memory_space<vmem>>, vector<16xi32>,
      %mul3A_127 = arith.constant 16 : i32
      %mul3A_128 = arith.muli %add3A_119, %mul3A_127 : i32
      %get3A_129 = arith.index_cast %mul3A_128 : i32 to index
      %get3A_130 = tpu.vector_load %arg9[%get3A_129] {strides = array<i32>} : memref<1600xi32, #tpu.memory_space<vmem>>, vector<16xi32>,
      %gather3A_131 = tpu.vector_load_idx %arg13[%iota3A, %get3A_130] : memref<16x1024xf32, #tpu.memory_space<vmem>>[vector<16xi32>, vector<16xi32>], vector<16xf32>,
      %gather3A_132 = tpu.vector_load_idx %arg10[%get3A_126] : memref<1000xf32, #tpu.memory_space<vmem>>[vector<16xi32>], vector<16xf32>,
      %sub3A_133 = arith.subf %gather3A_131, %gather3A_132 : vector<16xf32>
      %add3A_134 = arith.addf %add3A_101, %sub3A_133 : vector<16xf32>
      %mul3A_135 = arith.constant 16 : i32
      %mul3A_136 = arith.muli %add3A_119, %mul3A_135 : i32
      %add3A_137 = arith.addi %mul3A_2, %mul3A_136 : i32
      %dma_start3A_138 = arith.constant 0 : i32
      %dma_start3A_139 = tpu.memref_slice %arg6[%add3A_137, %dma_start3A_138] : memref<51200x1024xf32, #tpu.memory_space<hbm>> -> memref<16x1024xf32, #tpu.memory_space<hbm>>
      %dma_start3A_140 = arith.constant 0 : i32
      %dma_start3A_141 = tpu.memref_slice %arg6[%add3A_137, %dma_start3A_140] : memref<51200x1024xf32, #tpu.memory_space<hbm>> -> memref<16x1024xf32, #tpu.memory_space<hbm>>
      tpu.enqueue_dma source(%arg13 : memref<16x1024xf32, #tpu.memory_space<vmem>>) target(%dma_start3A_141 : memref<16x1024xf32, #tpu.memory_space<hbm>>) target_semaphore(%arg22 : memref<!tpu.dma_semaphore, #tpu.memory_space<semaphore_mem>>)
      %add3A_142 = arith.constant 1 : i32
      %add3A_143 = arith.addi %scan3A_53, %add3A_142 : i32
      %lt3A_144 = arith.constant 25 : i32
      %lt3A_145 = arith.cmpi slt, %add3A_143, %lt3A_144 : i32
      %convert_element_type3A_146 = arith.extui %lt3A_145 : i1 to i32
      %cond3A_147 = arith.constant 0 : i32
      %cond3A_148 = arith.cmpi ne, %convert_element_type3A_146, %cond3A_147 : i32
      scf.if %cond3A_148 {
        %dma_wait3A_182 = arith.constant 0 : i32
        %dma_wait3A_183 = arith.constant 0 : i32
        %dma_wait3A_184 = tpu.memref_slice %arg6[%dma_wait3A_182, %dma_wait3A_183] : memref<51200x1024xf32, #tpu.memory_space<hbm>> -> memref<16x1024xf32, #tpu.memory_space<hbm>>
        %dma_wait3A_185 = arith.constant 0 : i32
        %dma_wait3A_186 = arith.constant 0 : i32
        %dma_wait3A_187 = tpu.memref_slice %arg6[%dma_wait3A_185, %dma_wait3A_186] : memref<51200x1024xf32, #tpu.memory_space<hbm>> -> memref<16x1024xf32, #tpu.memory_space<hbm>>
        tpu.wait_dma2 semaphore(%arg22 : memref<!tpu.dma_semaphore, #tpu.memory_space<semaphore_mem>>) src(%arg13 : memref<16x1024xf32, #tpu.memory_space<vmem>>) dst(%dma_wait3A_187 : memref<16x1024xf32, #tpu.memory_space<hbm>>)
        %add3A_188 = arith.constant 4 : i32
        %add3A_189 = arith.addi %add3A_119, %add3A_188 : i32
        %mul3A_190 = arith.constant 16 : i32
        %mul3A_191 = arith.muli %add3A_189, %mul3A_190 : i32
        %get3A_192 = arith.index_cast %mul3A_191 : i32 to index
        %get3A_193 = tpu.vector_load %arg8[%get3A_192] {strides = array<i32>} : memref<1600xi32, #tpu.memory_space<vmem>>, vector<16xi32>,
        %dma_start3A_194 = arith.constant 0 : i32
        %dma_start3A_195 = arith.constant 0 : i32
        %dma_start3A_196 = tpu.memref_slice %arg2[%dma_start3A_194, %dma_start3A_195] : memref<1000x1024xf32, #tpu.memory_space<hbm>> -> memref<1000x1024xf32, #tpu.memory_space<hbm>>
        tpu.enqueue_indirect_dma source(%dma_start3A_196 : memref<1000x1024xf32, #tpu.memory_space<hbm>>) target(%arg13 : memref<16x1024xf32, #tpu.memory_space<vmem>>) offsets(%get3A_193 : vector<16xi32>) semaphore(%arg18 : memref<!tpu.dma_semaphore, #tpu.memory_space<semaphore_mem>>)
      } else {
      }
      %mul3A_149 = arith.constant 4 : i32
      %mul3A_150 = arith.muli %scan3A_53, %mul3A_149 : i32
      %add3A_151 = arith.constant 3 : i32
      %add3A_152 = arith.addi %mul3A_150, %add3A_151 : i32
      %dma_wait3A_153 = arith.constant 0 : i32
      %dma_wait3A_154 = arith.constant 0 : i32
      %dma_wait3A_155 = tpu.memref_slice %arg2[%dma_wait3A_153, %dma_wait3A_154] : memref<1000x1024xf32, #tpu.memory_space<hbm>> -> memref<1000x1024xf32, #tpu.memory_space<hbm>>
      tpu.wait_indirect_dma semaphore(%arg19 : memref<!tpu.dma_semaphore, #tpu.memory_space<semaphore_mem>>) src(%dma_wait3A_155 : memref<1000x1024xf32, #tpu.memory_space<hbm>>) dst(%arg14 : memref<16x1024xf32, #tpu.memory_space<vmem>>)
      %mul3A_156 = arith.constant 16 : i32
      %mul3A_157 = arith.muli %add3A_152, %mul3A_156 : i32
      %get3A_158 = arith.index_cast %mul3A_157 : i32 to index
      %get3A_159 = tpu.vector_load %arg8[%get3A_158] {strides = array<i32>} : memref<1600xi32, #tpu.memory_space<vmem>>, vector<16xi32>,
      %mul3A_160 = arith.constant 16 : i32
      %mul3A_161 = arith.muli %add3A_152, %mul3A_160 : i32
      %get3A_162 = arith.index_cast %mul3A_161 : i32 to index
      %get3A_163 = tpu.vector_load %arg9[%get3A_162] {strides = array<i32>} : memref<1600xi32, #tpu.memory_space<vmem>>, vector<16xi32>,
      %gather3A_164 = tpu.vector_load_idx %arg14[%iota3A, %get3A_163] : memref<16x1024xf32, #tpu.memory_space<vmem>>[vector<16xi32>, vector<16xi32>], vector<16xf32>,
      %gather3A_165 = tpu.vector_load_idx %arg10[%get3A_159] : memref<1000xf32, #tpu.memory_space<vmem>>[vector<16xi32>], vector<16xf32>,
      %sub3A_166 = arith.subf %gather3A_164, %gather3A_165 : vector<16xf32>
      %add3A_167 = arith.addf %add3A_134, %sub3A_166 : vector<16xf32>
      %mul3A_168 = arith.constant 16 : i32
      %mul3A_169 = arith.muli %add3A_152, %mul3A_168 : i32
      %add3A_170 = arith.addi %mul3A_2, %mul3A_169 : i32
      %dma_start3A_171 = arith.constant 0 : i32
      %dma_start3A_172 = tpu.memref_slice %arg6[%add3A_170, %dma_start3A_171] : memref<51200x1024xf32, #tpu.memory_space<hbm>> -> memref<16x1024xf32, #tpu.memory_space<hbm>>
      %dma_start3A_173 = arith.constant 0 : i32
      %dma_start3A_174 = tpu.memref_slice %arg6[%add3A_170, %dma_start3A_173] : memref<51200x1024xf32, #tpu.memory_space<hbm>> -> memref<16x1024xf32, #tpu.memory_space<hbm>>
      tpu.enqueue_dma source(%arg14 : memref<16x1024xf32, #tpu.memory_space<vmem>>) target(%dma_start3A_174 : memref<16x1024xf32, #tpu.memory_space<hbm>>) target_semaphore(%arg23 : memref<!tpu.dma_semaphore, #tpu.memory_space<semaphore_mem>>)
      %add3A_175 = arith.constant 1 : i32
      %add3A_176 = arith.addi %scan3A_53, %add3A_175 : i32
      %lt3A_177 = arith.constant 25 : i32
      %lt3A_178 = arith.cmpi slt, %add3A_176, %lt3A_177 : i32
      %convert_element_type3A_179 = arith.extui %lt3A_178 : i1 to i32
      %cond3A_180 = arith.constant 0 : i32
      %cond3A_181 = arith.cmpi ne, %convert_element_type3A_179, %cond3A_180 : i32
      scf.if %cond3A_181 {
        %dma_wait3A_182 = arith.constant 0 : i32
        %dma_wait3A_183 = arith.constant 0 : i32
        %dma_wait3A_184 = tpu.memref_slice %arg6[%dma_wait3A_182, %dma_wait3A_183] : memref<51200x1024xf32, #tpu.memory_space<hbm>> -> memref<16x1024xf32, #tpu.memory_space<hbm>>
        %dma_wait3A_185 = arith.constant 0 : i32
        %dma_wait3A_186 = arith.constant 0 : i32
        %dma_wait3A_187 = tpu.memref_slice %arg6[%dma_wait3A_185, %dma_wait3A_186] : memref<51200x1024xf32, #tpu.memory_space<hbm>> -> memref<16x1024xf32, #tpu.memory_space<hbm>>
        tpu.wait_dma2 semaphore(%arg23 : memref<!tpu.dma_semaphore, #tpu.memory_space<semaphore_mem>>) src(%arg14 : memref<16x1024xf32, #tpu.memory_space<vmem>>) dst(%dma_wait3A_187 : memref<16x1024xf32, #tpu.memory_space<hbm>>)
        %add3A_188 = arith.constant 4 : i32
        %add3A_189 = arith.addi %add3A_152, %add3A_188 : i32
        %mul3A_190 = arith.constant 16 : i32
        %mul3A_191 = arith.muli %add3A_189, %mul3A_190 : i32
        %get3A_192 = arith.index_cast %mul3A_191 : i32 to index
        %get3A_193 = tpu.vector_load %arg8[%get3A_192] {strides = array<i32>} : memref<1600xi32, #tpu.memory_space<vmem>>, vector<16xi32>,
        %dma_start3A_194 = arith.constant 0 : i32
        %dma_start3A_195 = arith.constant 0 : i32
        %dma_start3A_196 = tpu.memref_slice %arg2[%dma_start3A_194, %dma_start3A_195] : memref<1000x1024xf32, #tpu.memory_space<hbm>> -> memref<1000x1024xf32, #tpu.memory_space<hbm>>
        tpu.enqueue_indirect_dma source(%dma_start3A_196 : memref<1000x1024xf32, #tpu.memory_space<hbm>>) target(%arg14 : memref<16x1024xf32, #tpu.memory_space<vmem>>) offsets(%get3A_193 : vector<16xi32>) semaphore(%arg19 : memref<!tpu.dma_semaphore, #tpu.memory_space<semaphore_mem>>)
      } else {
      }
      scf.yield %add3A_167 : vector<16xf32>
    }
    %scan3A_26 = arith.constant 25 : i32
    %dma_wait3A = arith.constant 0 : i32
    %dma_wait3A_27 = arith.constant 0 : i32
    %dma_wait3A_28 = tpu.memref_slice %arg6[%dma_wait3A, %dma_wait3A_27] : memref<51200x1024xf32, #tpu.memory_space<hbm>> -> memref<16x1024xf32, #tpu.memory_space<hbm>>
    %dma_wait3A_29 = arith.constant 0 : i32
    %dma_wait3A_30 = arith.constant 0 : i32
    %dma_wait3A_31 = tpu.memref_slice %arg6[%dma_wait3A_29, %dma_wait3A_30] : memref<51200x1024xf32, #tpu.memory_space<hbm>> -> memref<16x1024xf32, #tpu.memory_space<hbm>>
    tpu.wait_dma2 semaphore(%arg20 : memref<!tpu.dma_semaphore, #tpu.memory_space<semaphore_mem>>) src(%arg11 : memref<16x1024xf32, #tpu.memory_space<vmem>>) dst(%dma_wait3A_31 : memref<16x1024xf32, #tpu.memory_space<hbm>>)
    %dma_wait3A_32 = arith.constant 0 : i32
    %dma_wait3A_33 = arith.constant 0 : i32
    %dma_wait3A_34 = tpu.memref_slice %arg6[%dma_wait3A_32, %dma_wait3A_33] : memref<51200x1024xf32, #tpu.memory_space<hbm>> -> memref<16x1024xf32, #tpu.memory_space<hbm>>
    %dma_wait3A_35 = arith.constant 0 : i32
    %dma_wait3A_36 = arith.constant 0 : i32
    %dma_wait3A_37 = tpu.memref_slice %arg6[%dma_wait3A_35, %dma_wait3A_36] : memref<51200x1024xf32, #tpu.memory_space<hbm>> -> memref<16x1024xf32, #tpu.memory_space<hbm>>
    tpu.wait_dma2 semaphore(%arg21 : memref<!tpu.dma_semaphore, #tpu.memory_space<semaphore_mem>>) src(%arg12 : memref<16x1024xf32, #tpu.memory_space<vmem>>) dst(%dma_wait3A_37 : memref<16x1024xf32, #tpu.memory_space<hbm>>)
    %dma_wait3A_38 = arith.constant 0 : i32
    %dma_wait3A_39 = arith.constant 0 : i32
    %dma_wait3A_40 = tpu.memref_slice %arg6[%dma_wait3A_38, %dma_wait3A_39] : memref<51200x1024xf32, #tpu.memory_space<hbm>> -> memref<16x1024xf32, #tpu.memory_space<hbm>>
    %dma_wait3A_41 = arith.constant 0 : i32
    %dma_wait3A_42 = arith.constant 0 : i32
    %dma_wait3A_43 = tpu.memref_slice %arg6[%dma_wait3A_41, %dma_wait3A_42] : memref<51200x1024xf32, #tpu.memory_space<hbm>> -> memref<16x1024xf32, #tpu.memory_space<hbm>>
    tpu.wait_dma2 semaphore(%arg22 : memref<!tpu.dma_semaphore, #tpu.memory_space<semaphore_mem>>) src(%arg13 : memref<16x1024xf32, #tpu.memory_space<vmem>>) dst(%dma_wait3A_43 : memref<16x1024xf32, #tpu.memory_space<hbm>>)
    %dma_wait3A_44 = arith.constant 0 : i32
    %dma_wait3A_45 = arith.constant 0 : i32
    %dma_wait3A_46 = tpu.memref_slice %arg6[%dma_wait3A_44, %dma_wait3A_45] : memref<51200x1024xf32, #tpu.memory_space<hbm>> -> memref<16x1024xf32, #tpu.memory_space<hbm>>
    %dma_wait3A_47 = arith.constant 0 : i32
    %dma_wait3A_48 = arith.constant 0 : i32
    %dma_wait3A_49 = tpu.memref_slice %arg6[%dma_wait3A_47, %dma_wait3A_48] : memref<51200x1024xf32, #tpu.memory_space<hbm>> -> memref<16x1024xf32, #tpu.memory_space<hbm>>
    tpu.wait_dma2 semaphore(%arg23 : memref<!tpu.dma_semaphore, #tpu.memory_space<semaphore_mem>>) src(%arg14 : memref<16x1024xf32, #tpu.memory_space<vmem>>) dst(%dma_wait3A_49 : memref<16x1024xf32, #tpu.memory_space<hbm>>)
    %swap3A = arith.constant 0 : index
    %swap3A_50 = tpu.vector_load %arg15[%swap3A] {strides = array<i32>} : memref<16xf32, #tpu.memory_space<vmem>>, vector<16xf32>,
    tpu.vector_store %arg15[%swap3A], %scan3A_25 {strides = array<i32>} : memref<16xf32, #tpu.memory_space<vmem>>, vector<16xf32>,
    %mul3A_51 = arith.constant 16 : i32
    %mul3A_52 = arith.muli %add3A, %mul3A_51 : i32
    "tpu.region"() ({
      %run_scoped3A = tpu.sem_alloc : memref<!tpu.dma_semaphore, #tpu.memory_space<semaphore_mem>>
      %dma_start3A_53 = tpu.memref_slice %arg7[%mul3A_52] : memref<512xf32, #tpu.memory_space<hbm>> -> memref<16xf32, #tpu.memory_space<hbm>>
      %dma_start3A_54 = tpu.memref_slice %arg7[%mul3A_52] : memref<512xf32, #tpu.memory_space<hbm>> -> memref<16xf32, #tpu.memory_space<hbm>>
      tpu.enqueue_dma source(%arg15 : memref<16xf32, #tpu.memory_space<vmem>>) target(%dma_start3A_54 : memref<16xf32, #tpu.memory_space<hbm>>) target_semaphore(%run_scoped3A : memref<!tpu.dma_semaphore, #tpu.memory_space<semaphore_mem>>)
      %dma_wait3A_55 = tpu.memref_slice %arg7[%mul3A_52] : memref<512xf32, #tpu.memory_space<hbm>> -> memref<16xf32, #tpu.memory_space<hbm>>
      %dma_wait3A_56 = tpu.memref_slice %arg7[%mul3A_52] : memref<512xf32, #tpu.memory_space<hbm>> -> memref<16xf32, #tpu.memory_space<hbm>>
      tpu.wait_dma2 semaphore(%run_scoped3A : memref<!tpu.dma_semaphore, #tpu.memory_space<semaphore_mem>>) src(%arg15 : memref<16xf32, #tpu.memory_space<vmem>>) dst(%dma_wait3A_56 : memref<16xf32, #tpu.memory_space<hbm>>)
      tpu.yield
    }) : () -> ()
    return
  }
}

module attributes {stable_mosaic.version = 14 : i64} {
  func.func @_lse_body(%arg0: memref<1000x1000xf32, #tpu.memory_space<vmem>>, %arg1: memref<1000x1xf32, #tpu.memory_space<vmem>>) attributes {dimension_semantics = [], scalar_prefetch = 0 : i64, scratch_operands = 0 : i64, tpu.core_type = #tpu.core_type<tc>} {
    %get3A = arith.constant 0 : index
    %get3A_0 = arith.constant 0 : index
    %get3A_1 = vector.load %arg0[%get3A, %get3A_0] : memref<1000x1000xf32, #tpu.memory_space<vmem>>, vector<1000x1000xf32>
    %reduce_max3A = arith.constant dense<0xFF800000> : vector<1000xf32>
    %reduce_max3A_2 = vector.multi_reduction <maximumf>, %get3A_1, %reduce_max3A [1] : vector<1000x1000xf32> to vector<1000xf32>
    %broadcast_in_dim3A = vector.shape_cast %reduce_max3A_2 : vector<1000xf32> to vector<1000x1xf32>
    %sub3A = vector.broadcast %broadcast_in_dim3A : vector<1000x1xf32> to vector<1000x1000xf32>
    %sub3A_3 = arith.subf %get3A_1, %sub3A : vector<1000x1000xf32>
    %exp3A = math.exp %sub3A_3 : vector<1000x1000xf32>
    %reduce_sum3A = arith.constant dense<0.000000e+00> : vector<1000xf32>
    %reduce_sum3A_4 = vector.multi_reduction <add>, %exp3A, %reduce_sum3A [1] : vector<1000x1000xf32> to vector<1000xf32>
    %broadcast_in_dim3A_5 = vector.shape_cast %reduce_sum3A_4 : vector<1000xf32> to vector<1000x1xf32>
    %log3A = math.log %broadcast_in_dim3A_5 : vector<1000x1xf32>
    %add3A = arith.addf %broadcast_in_dim3A, %log3A : vector<1000x1xf32>
    %swap3A = arith.constant 0 : index
    %swap3A_6 = arith.constant 0 : index
    %swap3A_7 = vector.load %arg1[%swap3A, %swap3A_6] : memref<1000x1xf32, #tpu.memory_space<vmem>>, vector<1000x1xf32>
    tpu.vector_store %arg1[%swap3A, %swap3A_6], %add3A {strides = array<i32>} : memref<1000x1xf32, #tpu.memory_space<vmem>>, vector<1000x1xf32>,
    return
  }
}

module attributes {stable_mosaic.version = 14 : i64} {
  func.func @_final_body(%arg0: memref<512xf32, #tpu.memory_space<vmem>>, %arg1: memref<1x1xf32, #tpu.memory_space<vmem>>) attributes {dimension_semantics = [], scalar_prefetch = 0 : i64, scratch_operands = 0 : i64, tpu.core_type = #tpu.core_type<tc>} {
    %get3A = arith.constant 0 : index
    %get3A_0 = vector.load %arg0[%get3A] : memref<512xf32, #tpu.memory_space<vmem>>, vector<512xf32>
    %reduce_sum3A = vector.shape_cast %get3A_0 : vector<512xf32> to vector<1x512xf32>
    %reduce_sum3A_1 = arith.constant dense<0.000000e+00> : vector<1xf32>
    %reduce_sum3A_2 = vector.multi_reduction <add>, %reduce_sum3A, %reduce_sum3A_1 [1] : vector<1x512xf32> to vector<1xf32>
    %reduce_sum3A_3 = vector.shape_cast %reduce_sum3A_2 : vector<1xf32> to vector<1x1xf32>
    %reduce_sum3A_4 = vector.extract %reduce_sum3A_3[0, 0] : f32 from vector<1x1xf32>
    %neg3A = arith.constant 0.000000e+00 : f32
    %neg3A_5 = arith.subf %neg3A, %reduce_sum3A_4 : f32
    %div3A = arith.constant 5.120000e+04 : f32
    %div3A_6 = arith.divf %neg3A_5, %div3A : f32
    %broadcast_in_dim3A = vector.broadcast %div3A_6 : f32 to vector<1x1xf32>
    %swap3A = arith.constant 0 : index
    %swap3A_7 = arith.constant 0 : index
    %swap3A_8 = vector.load %arg1[%swap3A, %swap3A_7] : memref<1x1xf32, #tpu.memory_space<vmem>>, vector<1x1xf32>
    tpu.vector_store %arg1[%swap3A, %swap3A_7], %broadcast_in_dim3A {strides = array<i32>} : memref<1x1xf32, #tpu.memory_space<vmem>>, vector<1x1xf32>,
    return
  }
}

</mosaic_0001>

<sc_bundles>
// kernel: kernel.5.cloned.1.call-start
scs
__scs_entry_jumppad:
0x0: {  	(pc) =	sbr.rel $0x88, $3  }
0x1: {  	(tag) =	ssettag $0x0;
	lr =	simm.s32 $0x1  }
0x2: {  	[smem:$0x3F9E] =	sst lr;
	_ =	strace $0xD0000000  }
0x3: {  	_ = 	snop  }
0x4: {  	_ = 	snop  }
0x5: {  	_ = 	snop  }
0x6: {  	_ = 	snop  }
0x7: {  	_ = 	snop  }
__scs_overlays_trampoline_lowered:
0x8: {  	[smem:$0x3FAD] =	sst s0  }
0x9: {  	[smem:$0x3FAE] =	sst s1  }
0xa: {  	[smem:$0x3FAF] =	sst s2  }
0xb: {  	[smem:$0x3FB0] =	sst s3  }
0xc: {  	[smem:$0x3FB1] =	sst s4  }
0xd: {  	[smem:$0x3FB2] =	sst s5  }
0xe: {  	[smem:$0x3FB3] =	sst s6  }
0xf: {  	[smem:$0x3FB4] =	sst s7  }
0x10: {  	[smem:$0x3FB5] =	sst s8  }
0x11: {  	[smem:$0x3FB6] =	sst s9;
	s0 =	simm.s32 @!p0 $0x0  }
0x12: {  	s1 =	sld [smem:$0x3F9C];
	s0 =	simm.s32 @p0 $0x1  }
0x13: {  	[smem:$0x3FB7] =	sst s0;
	s0 =	simm.s32 @!p1 $0x0  }
0x14: {  	s2 =	sld [smem:$0x3F9B];
	s0 =	simm.s32 @p1 $0x1  }
0x15: {  	[smem:$0x3FB8] =	sst s0;
	s0 =	simm.s32 @!p2 $0x0  }
0x16: {  	s3 =	sld [smem:$0x3FDB];
	s0 =	simm.s32 @p2 $0x1  }
0x17: {  	s4 =	simm.s32 $0x1BF5;
	[smem:$0x3FBA] =	sst s0  }
0x18: {  	s0 =	sld [smem:$0x3F9D];
	_ =	swait.ge [sflag:s4], $0x0  }
0x19: {  	s7 =	sld [smem:$0x3F9E]  }
0x1a: {  	s8 =	sadd.s32 $0xFFFFE003, lr  }
0x1b: {  	s9 =	sadd.s32 $0xFFFFFEF7, lr;
	s5 =	simm.s32 $0xFFFFFFFF;
	p2 =	slt.u32 s8, $0xFFFFF086  }
0x1c: {  	p1 =	slt.u32 s9, $0xF7A;
	s5 =	simm.s32 @!p2 $0x0  }
0x1d: {  	s5 =	simm.s32 @p1 $0x1;
	p0 =	seq.s32 s7, s2  }
0x1e: {  	s7 =	smul.u32 @!p0 $0xF7A, s2;
	p2 =	seq.s32 @!p0 s5, $0x0  }
0x1f: {  	s9 =	smul.u32 $0xF7A, s1;
	s8 =	simm.s32 @!p0 $0x1BF5;
	p2 =	por !p2, p0  }
0x20: {  	[sflag:s8] =	ssyncset.s32 @!p0 $0xFFFFF086;
	s6 =	sadd.s32 @!p0 s3, s7;
	s7 =	simm.s32 @!p0 $0x108  }
0x21: {  	s3 =	sadd.s32 s3, s9;
	s6 =	sadd.s32 @!p0 $0x88, s6;
	s7 =	simm.s32 @p2 $0x1082  }
0x22: {  	[simem:s7], [sflag:s8] =	dma.local @!p0 [hbm:s6], $0xF7A  }
0x23: {  	s9 =	sor.u32 $0xD0000000, s2;
	s6 =	simm.s32 $0x108;
	_ =	swait.ge @!p0 [sflag:s8], $0x0  }
0x24: {  	s3 =	sadd.s32 $0x88, s3;
	s6 =	simm.s32 @!p1 $0x1082;
	[sflag:s4] =	ssyncset.s32 $0xFFFFF086  }
0x25: {  	[simem:s6], [sflag:s4] =	dma.local [hbm:s3], $0xF7A  }
0x26: {  	[smem:$0x3F9E] =	sst s1;
	(tag) =	ssettag s2;
	_ =	strace s9  }
0x27: {  	s1 =	sld [smem:$0x3FAE]  }
0x28: {  	s2 =	sld [smem:$0x3FAF]  }
0x29: {  	s4 =	sld [smem:$0x3FB1]  }
0x2a: {  	p0 =	seq.s32 s5, $0x0;
	s5 =	sld [smem:$0x3FB2]  }
0x2b: {  	s6 =	sld [smem:$0x3FB3]  }
0x2c: {  	s7 =	sld [smem:$0x3FB4]  }
0x2d: {  	s3 =	simm.s32 $0x108;
	s8 =	sld [smem:$0x3FB5]  }
0x2e: {  	s3 =	simm.s32 @!p0 $0x1082;
	s9 =	sld [smem:$0x3FB6]  }
0x2f: {  	lr =	sadd.s32 s0, s3;
	s0 =	sld [smem:$0x3FAD]  }
0x30: {  	s3 =	sld [smem:$0x3FB0]  }
0x31: {  	[smem:$0x3FB9] =	sst s10  }
0x32: {  	s10 =	sld [smem:$0x3FB7];
	_ =	sdelay $0x3  }
0x33: {  	p0 =	seq.s32 s10, $0x1;
	s10 =	sld [smem:$0x3FB9];
	_ =	sdelay $0x3  }
0x34: {  	[smem:$0x3FB9] =	sst s10  }
0x35: {  	s10 =	sld [smem:$0x3FB8];
	_ =	sdelay $0x3  }
0x36: {  	p1 =	seq.s32 s10, $0x1;
	s10 =	sld [smem:$0x3FB9];
	_ =	sdelay $0x3  }
0x37: {  	[smem:$0x3FB9] =	sst s10  }
0x38: {  	s10 =	sld [smem:$0x3FBA]  }
0x39: {  	_ = 	snop;
	(pc) =	sbr.ind lr, $3  }
0x3a: {  	_ = 	snop  }
0x3b: {  	_ = 	snop  }
0x3c: {  	p2 =	seq.s32 s10, $0x1;
	s10 =	sld [smem:$0x3FB9]  }
0x3d: {  	_ =	shalt  }
0x3e: {  	_ =	shalt  }
0x3f: {  	_ =	shalt  }
0x40: {  	_ =	shalt  }
0x41: {  	_ =	shalt  }
0x42: {  	_ =	shalt  }
0x43: {  	_ =	shalt  }
0x44: {  	_ =	shalt  }
0x45: {  	_ =	shalt  }
0x46: {  	_ =	shalt  }
0x47: {  	_ =	shalt  }
0x48: {  	_ =	shalt  }
0x49: {  	_ =	shalt  }
0x4a: {  	_ =	shalt  }
0x4b: {  	_ =	shalt  }
0x4c: {  	_ =	shalt  }
0x4d: {  	_ =	shalt  }
0x4e: {  	_ =	shalt  }
0x4f: {  	_ =	shalt  }
0x50: {  	_ =	shalt  }
0x51: {  	_ =	shalt  }
0x52: {  	_ =	shalt  }
0x53: {  	_ =	shalt  }
0x54: {  	_ =	shalt  }
0x55: {  	_ =	shalt  }
0x56: {  	_ =	shalt  }
0x57: {  	_ =	shalt  }
0x58: {  	_ =	shalt  }
0x59: {  	_ =	shalt  }
0x5a: {  	_ =	shalt  }
0x5b: {  	_ =	shalt  }
0x5c: {  	_ =	shalt  }
0x5d: {  	_ =	shalt  }
0x5e: {  	_ =	shalt  }
0x5f: {  	_ =	shalt  }
0x60: {  	_ =	shalt  }
0x61: {  	_ =	shalt  }
0x62: {  	_ =	shalt  }
0x63: {  	_ =	shalt  }
0x64: {  	_ =	shalt  }
0x65: {  	_ =	shalt  }
0x66: {  	_ =	shalt  }
0x67: {  	_ =	shalt  }
0x68: {  	_ =	shalt  }
0x69: {  	_ =	shalt  }
0x6a: {  	_ =	shalt  }
0x6b: {  	_ =	shalt  }
0x6c: {  	_ =	shalt  }
0x6d: {  	_ =	shalt  }
0x6e: {  	_ =	shalt  }
0x6f: {  	_ =	shalt  }
0x70: {  	_ =	shalt  }
0x71: {  	_ =	shalt  }
0x72: {  	_ =	shalt  }
0x73: {  	_ =	shalt  }
0x74: {  	_ =	shalt  }
0x75: {  	_ =	shalt  }
0x76: {  	_ =	shalt  }
0x77: {  	_ =	shalt  }
0x78: {  	_ =	shalt  }
0x79: {  	_ =	shalt  }
0x7a: {  	_ =	shalt  }
0x7b: {  	_ =	shalt  }
0x7c: {  	_ =	shalt  }
0x7d: {  	_ =	shalt  }
0x7e: {  	_ =	shalt  }
0x7f: {  	_ =	shalt  }
0x80: {  	_ =	shalt  }
0x81: {  	_ =	shalt  }
0x82: {  	_ =	shalt  }
0x83: {  	_ =	shalt  }
0x84: {  	_ =	shalt  }
0x85: {  	_ =	shalt  }
0x86: {  	_ =	shalt  }
0x87: {  	_ =	shalt  }
.Lfunc_end0:
.L_simem_size_0:
called_computation.1_lowered:
.L_overlay_start_0:
0x88: {  	s2 =	sld [smem:$0x3FD9]  }
0x89: {  	s3 =	sld [smem:$0x3FFE];
	_ =	sdelay $0x1  }
0x8a: {  	s1 =	srdreg.scid  }
0x8b: {  	s0 =	sand.u32 $0x1, s1  }
0x8c: {  	s14 =	sshll.u32 s0, $0xA;
	s2 =	sadd.s32 s3, s2  }
0x8d: {  	s2 =	sadd.s32 s2, s14  }
0x8e: {  	[smem:$0x3FC5] =	sst s2  }
0x8f: {  	_ = 	snop  }
0x90: {  	s2 =	sld [smem:$0x3FD0];
	_ =	sdelay $0x2  }
0x91: {  	s15 =	simm.s32 $0xA;
	s4 =	simm.s32 $0x10  }
0x92: {  	[smem:s4], [sflag:s15] =	dma.local [hbm:s2], $0x1  }
0x93: {  	_ =	swait.eq [sflag:s15], $0x1  }
0x94: {  	[sflag:s15] =	ssyncset.done $0x0  }
0x95: {  	[sflag:s15] =	ssyncadd.s32 $0xFFFFFFFF  }
0x96: {  	s16 =	sld [smem:$0x10];
	(tm) =	ssettm $0x1  }
0x97: {  	s17 =	sld [smem:$0x3FFB];
	_ =	sdelay $0x3  }
0x98: {  	_ =	strace s17  }
0x99: {  	s3 =	sld [smem:$0x3FFC];
	_ =	sdelay $0x3  }
0x9a: {  	_ =	strace s3  }
0x9b: {  	s3 =	sld [smem:$0x3FFD];
	_ =	sdelay $0x3  }
0x9c: {  	_ =	strace s3  }
0x9d: {  	_ =	strace $0x8FFFFFFF  }
0x9e: {  	s18 =	sld [smem:$0x3FDB];
	_ =	sdelay $0x1  }
0x9f: {  	s19 =	simm.s32 $_scs_section_size  }
0xa0: {  	s5 =	simm.s32 $_size__tile_overlayer_lowered;
	s6 =	simm.s32 $_tile_overlayer_lowered  }
0xa1: {  	s22 =	simm.s32 $0x1BFF;
	s21 =	sshll.u32 s6, $0x1;
	s3 =	sadd.s32 s19, s18  }
0xa2: {  	s7 =	simm.s32 $0x0;
	s20 =	sshll.u32 s5, $0x1;
	s5 =	sadd.s32 s21, s3  }
0xa3: {  	[timem:s7], [sflag:s22] =	dma.local [hbm:s5], s20  }
0xa4: {  	_ =	swait.ge [sflag:s22], s20  }
0xa5: {  	s4 =	ssub.s32 $0x0, s20;
	[sflag:s22] =	ssyncset.done $0x0  }
0xa6: {  	[sflag:s22] =	ssyncadd.s32 s4;
	_ =	sdelay $0x1  }
0xa7: {  	s23 =	simm.s32 $0x1B8B  }
0xa8: {  	_ =	swait.ge [sflag:s23], $0x1  }
0xa9: {  	[sflag:s23] =	ssyncset.done $0x0  }
0xaa: {  	s25 =	simm.s32 $0x1B8E;
	s24 =	sld [smem:$0x3FFE];
	[sflag:s23] =	ssyncadd.s32 $0xFFFFFFFF  }
0xab: {  	s26 =	simm.s32 $execute0_lowered;
	[smem:$0x3FD2] =	sst s25  }
0xac: {  	s5 =	sshll.u32 s26, $0x1;
	_ =	strace $0x80000046;
	[dreg:$0x1] =	wrdreg $0xFFFFFFFF  }
0xad: {  	s28 =	simm.s32 $_size_execute0_lowered;
	s3 =	sadd.s32 s3, s5;
	[dreg:$0x0] =	wrdreg $0x0  }
0xae: {  	s5 =	sshll.u32 s28, $0x1;
	[dreg:$0x2] =	wrdreg s3  }
0xaf: {  	[dreg:$0x3] =	wrdreg s5  }
0xb0: {  	[dreg:$0x4] =	wrdreg $0xC0  }
0xb1: {  	_ =	task [dreg:s7], $0x5FFFF  }
0xb2: {  	[dreg:$0x1] =	wrdreg $0xFFFFFFFF  }
0xb3: {  	[dreg:$0x0] =	wrdreg $0x60  }
0xb4: {  	[dreg:$0x2] =	wrdreg s16  }
0xb5: {  	[dreg:$0x3] =	wrdreg s24  }
0xb6: {  	[dreg:$0x4] =	wrdreg $0x9  }
0xb7: {  	_ =	task.clear_ibuf [dreg:s7], $0x5FFFF;
	_ =	strace $0x90000046  }
0xb8: {  	s29 =	simm.s32 $0x9;
	_ =	strace $0x80000048  }
0xb9: {  	_ =	swait.ge [sflag:s29], $0x1  }
0xba: {  	[sflag:s29] =	ssyncadd.s32 $0xFFFFFFFF  }
0xbb: {  	_ =	strace $0x90000048  }
0xbc: {  	_ =	sfence  }
0xbd: {  	s30 =	sld [smem:$0x0];
	_ =	sdelay $0x2  }
0xbe: {  	s31 =	sshll.u32 s1, $0xD;
	s1 =	sshrl.u32 s1, $0x2  }
0xbf: {  	s3 =	sand.u32 $0x4000, s31;
	s1 =	sadd.s32 s1, s30  }
0xc0: {  	s0 =	sor.u32 s3, s0;
	s1 =	sshll.u32 s1, $0x11  }
0xc1: {  	s0 =	sor.u32 s1, s0  }
0xc2: {  	s0 =	sadd.s32 $0x8F2B, s0  }
0xc3: {  	[sflag:s0] =	ssyncadd.remote.s32 $0x1  }
0xc4: {  	_ =	sfence.sel $0xFFFF  }
0xc5: {  	[dreg:$0x0] =	wrdreg $0xFFFFFFFF;
	(pc) =	sbr.abs _section_cstart, $3  }
0xc6: {  	[dreg:$0x1] =	wrdreg $0xFFFFFFFF  }
0xc7: {  	_ =	task.clear_ibuf [dreg:s7], $0x2FFFF;
	_ =	strace $0x9FFFFFFF  }
0xc8: {  	(tm) =	ssettm $0x7FFFFFFF  }
0xc9: {  	_ =	shalt  }
tec
execute0_lowered:
.L_overlay_start_1:
0x0: {  	(tag) =	ssettag $0x1  }
0x1: {  	s0 =	srdreg.scid;
	s2 =	rddreg [dreg:$0x0];
	v0 =	vimm.s32 $0x2380;
	vm0 =	vcmask $0x300  }
0x2: {  	s6 =	stileid.u32;
	s5 =	rddreg [dreg:$0x1];
	s3 =	simm.s32 $0x0;
	v0 =	vsel vm0, $0x0, v0;
	vm0 =	vcmask $0x704  }
0x3: {  	s13 =	simm.s32 $0x9;
	s15 =	simm.s32 $0xD00;
	s16 =	simm.s32 $0x1100;
	v0 =	vsel vm0, $0x80, v0;
	vm0 =	vcmask $0xB08  }
0x4: {  	s24 =	simm.s32 $0x5100;
	s23 =	simm.s32 $0xD100;
	s14 =	simm.s32 $0x1;
	v0 =	vsel vm0, $0x100, v0;
	vm0 =	vcmask $0xF0C  }
0x5: {  	s17 =	simm.s32 $0x2;
	s18 =	simm.s32 $0x3;
	s19 =	simm.s32 $0x4;
	v0 =	vsel vm0, $0x180, v0;
	vm0 =	vcmask $0x1310  }
0x6: {  	s20 =	simm.s32 $0x5;
	s21 =	simm.s32 $0x6;
	s22 =	simm.s32 $0x7;
	v0 =	vsel vm0, $0x200, v0;
	vm0 =	vcmask $0x1714  }
0x7: {  	s25 =	simm.s32 $0x8;
	s28 =	simm.s32 $0x0;
	s0 =	sand.u32 $0x1, s0;
	v0 =	vsel vm0, $0x280, v0;
	vm0 =	vcmask $0x1B18  }
0x8: {  	s1 =	sshll.u32 s6, $0x1;
	[smem:$0x7FF] =	sst s3;
	s6 =	smul.u32 $0x64000, s6;
	v0 =	vsel vm0, $0x300, v0;
	vm0 =	vcmask $0x1F1C  }
0x9: {  	s30 =	sadd.s32 $0x4000, s5;
	s9 =	sadd.s32 $0x300, s2;
	s1 =	sor.u32 s0, s1;
	v0 =	vsel vm0, $0x380, v0;
	vm0 =	vcmask $0x2320  }
0xa: {  	_ =	strace $0x80000047;
	s8 =	ssub.s32 $0x2, s0;
	s0 =	smul.u32 $0x32000, s0;
	v0 =	vsel vm0, $0x2000, v0;
	vm0 =	vcmask $0x2724  }
0xb: {  	[dreg:$0x3] =	wrdreg s30;
	s4 =	smul.u32 $0x640, s1;
	s1 =	sshll.u32 s1, $0x1;
	v0 =	vsel vm0, $0x2080, v0;
	vm0 =	vcmask $0x2B28  }
0xc: {  	v2 =	vlaneseq.u32;
	s10 =	sadd.s32 s6, s5;
	s31 =	sshrl.u32 s8, $0x1;
	s1 =	sadd.s32 s1, s5;
	v1 =	vsel vm0, $0x2100, v0;
	vm0 =	vcmask $0x2F2C  }
0xd: {  	vm1 =	vcmask $0x3B38;
	s11 =	ssub.s32 s8, s31;
	s8 =	sadd.s32 $0x200, s2;
	s0 =	sadd.s32 s0, s10;
	v1 =	vsel vm0, $0x2180, v1;
	vm0 =	vcmask $0x3330  }
0xe: {  	v3 =	vshrl.u32 v2, $0x3;
	s4 =	sshrl.u32 s4, $0x3;
	s10 =	sadd.s32 $0x4200, s1;
	s11 =	smax.u32 s11, $0x1;
	v4 =	vsel vm0, $0x2200, v1;
	vm0 =	vcmask $0x3734  }
0xf: {  	s12 =	sadd.s32 $0x4400, s0;
	s0 =	simm.s32 $0x9100;
	s7 =	sadd.s32 s4, s5;
	v0 =	vand.u32 $0x7, v2;
	v1 =	vmul.u32 $0x8, v3;
	v3 =	vsel vm0, $0x2280, v4  }
0x10: {  	s5 =	sadd.s32 $0xC00, s7;
	s6 =	sadd.s32 $0x2600, s7;
	s7 =	sadd.s32 $0x100, s2;
	v2 =	vor.u32 $0x8, v2;
	vm0 =	vmmov $0xffff;
	v3 =	vsel vm1, $0x2300, v3  }
.LBB2_1:
0x11: {  	[tilespmem:s3], [sflag:$0x9] =	stream.linear.gather [hbm4b:s5+s3], $0x640, $0x38;
	[tilespmem:$0x11180] =	vst v63  }
0x12: {  	_ =	swait.ge [sflag:s13], $0x640  }
0x13: {  	[sflag:s13] =	ssyncset.done $0x0  }
0x14: {  	s1 =	simm.s32 $0x680;
	[sflag:s13] =	ssyncadd.s32 $0xFFFFF9C0  }
0x15: {  	[tilespmem:s1], [sflag:$0x9] =	stream.linear.gather [hbm4b:s6+s3], $0x640, $0x38;
	[tilespmem:$0x11180] =	vst v63  }
0x16: {  	_ =	swait.ge [sflag:s13], $0x640  }
0x17: {  	[sflag:s13] =	ssyncset.done $0x0  }
0x18: {  	s26 =	rddreg [dreg:$0x3];
	[sflag:s13] =	ssyncadd.s32 $0xFFFFF9C0  }
0x19: {  	[tilespmem:s15], [sflag:$0x9] =	stream.linear.gather [hbm4b:s26+s3], $0x400, $0x38;
	[tilespmem:$0x11180] =	vst v63  }
0x1a: {  	_ =	swait.ge [sflag:s13], $0x400  }
0x1b: {  	[sflag:s13] =	ssyncset.done $0x0  }
0x1c: {  	[sflag:s13] =	ssyncadd.s32 $0xFFFFFC00  }
0x1d: {  	v4 =	vld [tilespmem:$0x0];
	_ =	sdelay $0x4  }
0x1e: {  	v5 =	vshll.u32 v4, $0x3  }
0x1f: {  	v4 =	vand.u32 $0x7, v4;
	v5 =	vand.u32 $0xFFFFFFC0, v5  }
0x20: {  	v4 =	vor.u32 v4, v5  }
0x21: {  	v5 =	vperm.xlane v4, v0;
	_ =	sdelay $0x1  }
0x22: {  	v5 =	vadd.s32 v1, v5;
	_ =	sdelay $0x4  }
0x23: {  	[tilespmem:s16], [sflag:$0x1] =	stream.indirect_vreg.gather [hbm4b:s2+s3], $0x80, v5, vm0, $0xb8;
	[tilespmem:$0x11180] =	vst v63  }
0x24: {  	s4 =	simm.s32 $0x1900;
	v4 =	vperm.xlane v4, v2  }
0x25: {  	[tilespmem:s4], [sflag:$0x1] =	stream.indirect_vreg.gather [hbm4b:s7+s3], $0x80, v5, vm0, $0xb8;
	[tilespmem:$0x11180] =	vst v63  }
0x26: {  	s26 =	simm.s32 $0x2100;
	v4 =	vadd.s32 v1, v4  }
0x27: {  	[tilespmem:s26], [sflag:$0x1] =	stream.indirect_vreg.gather [hbm4b:s8+s3], $0x80, v5, vm0, $0xb8;
	[tilespmem:$0x11180] =	vst v63  }
0x28: {  	s4 =	simm.s32 $0x2900  }
0x29: {  	[tilespmem:s4], [sflag:$0x1] =	stream.indirect_vreg.gather [hbm4b:s9+s3], $0x80, v5, vm0, $0xb8;
	[tilespmem:$0x11180] =	vst v63  }
0x2a: {  	s26 =	simm.s32 $0x3100  }
0x2b: {  	[tilespmem:s26], [sflag:$0x1] =	stream.indirect_vreg.gather [hbm4b:s2+s3], $0x80, v4, vm0, $0xb8;
	[tilespmem:$0x11180] =	vst v63  }
0x2c: {  	s4 =	simm.s32 $0x3900  }
0x2d: {  	[tilespmem:s4], [sflag:$0x1] =	stream.indirect_vreg.gather [hbm4b:s7+s3], $0x80, v4, vm0, $0xb8;
	[tilespmem:$0x11180] =	vst v63  }
0x2e: {  	s26 =	simm.s32 $0x4100  }
0x2f: {  	[tilespmem:s26], [sflag:$0x1] =	stream.indirect_vreg.gather [hbm4b:s8+s3], $0x80, v4, vm0, $0xb8;
	[tilespmem:$0x11180] =	vst v63  }
0x30: {  	s4 =	simm.s32 $0x4900  }
0x31: {  	[tilespmem:s4], [sflag:$0x1] =	stream.indirect_vreg.gather [hbm4b:s9+s3], $0x80, v4, vm0, $0xb8;
	[tilespmem:$0x11180] =	vst v63  }
0x32: {  	v4 =	vld [tilespmem:$0x10];
	_ =	sdelay $0x4  }
0x33: {  	v5 =	vshll.u32 v4, $0x3  }
0x34: {  	v4 =	vand.u32 $0x7, v4;
	v5 =	vand.u32 $0xFFFFFFC0, v5  }
0x35: {  	v4 =	vor.u32 v4, v5  }
0x36: {  	v5 =	vperm.xlane v4, v0;
	_ =	sdelay $0x1  }
0x37: {  	v5 =	vadd.s32 v1, v5;
	_ =	sdelay $0x4  }
0x38: {  	[tilespmem:s24], [sflag:$0x2] =	stream.indirect_vreg.gather [hbm4b:s2+s3], $0x80, v5, vm0, $0xb8;
	[tilespmem:$0x11180] =	vst v63  }
0x39: {  	s26 =	simm.s32 $0x5900;
	v4 =	vperm.xlane v4, v2  }
0x3a: {  	[tilespmem:s26], [sflag:$0x2] =	stream.indirect_vreg.gather [hbm4b:s7+s3], $0x80, v5, vm0, $0xb8;
	[tilespmem:$0x11180] =	vst v63  }
0x3b: {  	s4 =	simm.s32 $0x6100;
	v4 =	vadd.s32 v1, v4  }
0x3c: {  	[tilespmem:s4], [sflag:$0x2] =	stream.indirect_vreg.gather [hbm4b:s8+s3], $0x80, v5, vm0, $0xb8;
	[tilespmem:$0x11180] =	vst v63  }
0x3d: {  	s26 =	simm.s32 $0x6900  }
0x3e: {  	[tilespmem:s26], [sflag:$0x2] =	stream.indirect_vreg.gather [hbm4b:s9+s3], $0x80, v5, vm0, $0xb8;
	[tilespmem:$0x11180] =	vst v63  }
0x3f: {  	s4 =	simm.s32 $0x7100  }
0x40: {  	[tilespmem:s4], [sflag:$0x2] =	stream.indirect_vreg.gather [hbm4b:s2+s3], $0x80, v4, vm0, $0xb8;
	[tilespmem:$0x11180] =	vst v63  }
0x41: {  	s26 =	simm.s32 $0x7900  }
0x42: {  	[tilespmem:s26], [sflag:$0x2] =	stream.indirect_vreg.gather [hbm4b:s7+s3], $0x80, v4, vm0, $0xb8;
	[tilespmem:$0x11180] =	vst v63  }
0x43: {  	s4 =	simm.s32 $0x8100  }
0x44: {  	[tilespmem:s4], [sflag:$0x2] =	stream.indirect_vreg.gather [hbm4b:s8+s3], $0x80, v4, vm0, $0xb8;
	[tilespmem:$0x11180] =	vst v63  }
0x45: {  	s26 =	simm.s32 $0x8900  }
0x46: {  	[tilespmem:s26], [sflag:$0x2] =	stream.indirect_vreg.gather [hbm4b:s9+s3], $0x80, v4, vm0, $0xb8;
	[tilespmem:$0x11180] =	vst v63  }
0x47: {  	v4 =	vld [tilespmem:$0x20];
	_ =	sdelay $0x4  }
0x48: {  	v5 =	vshll.u32 v4, $0x3  }
0x49: {  	v4 =	vand.u32 $0x7, v4;
	v5 =	vand.u32 $0xFFFFFFC0, v5  }
0x4a: {  	v4 =	vor.u32 v4, v5  }
0x4b: {  	v5 =	vperm.xlane v4, v0;
	_ =	sdelay $0x1  }
0x4c: {  	v5 =	vadd.s32 v1, v5;
	_ =	sdelay $0x4  }
0x4d: {  	[tilespmem:s0], [sflag:$0x3] =	stream.indirect_vreg.gather [hbm4b:s2+s3], $0x80, v5, vm0, $0xb8;
	[tilespmem:$0x11180] =	vst v63  }
0x4e: {  	s4 =	simm.s32 $0x9900;
	v4 =	vperm.xlane v4, v2  }
0x4f: {  	[tilespmem:s4], [sflag:$0x3] =	stream.indirect_vreg.gather [hbm4b:s7+s3], $0x80, v5, vm0, $0xb8;
	[tilespmem:$0x11180] =	vst v63  }
0x50: {  	s26 =	simm.s32 $0xA100;
	v4 =	vadd.s32 v1, v4  }
0x51: {  	[tilespmem:s26], [sflag:$0x3] =	stream.indirect_vreg.gather [hbm4b:s8+s3], $0x80, v5, vm0, $0xb8;
	[tilespmem:$0x11180] =	vst v63  }
0x52: {  	s4 =	simm.s32 $0xA900  }
0x53: {  	[tilespmem:s4], [sflag:$0x3] =	stream.indirect_vreg.gather [hbm4b:s9+s3], $0x80, v5, vm0, $0xb8;
	[tilespmem:$0x11180] =	vst v63  }
0x54: {  	s26 =	simm.s32 $0xB100  }
0x55: {  	[tilespmem:s26], [sflag:$0x3] =	stream.indirect_vreg.gather [hbm4b:s2+s3], $0x80, v4, vm0, $0xb8;
	[tilespmem:$0x11180] =	vst v63  }
0x56: {  	s4 =	simm.s32 $0xB900  }
0x57: {  	[tilespmem:s4], [sflag:$0x3] =	stream.indirect_vreg.gather [hbm4b:s7+s3], $0x80, v4, vm0, $0xb8;
	[tilespmem:$0x11180] =	vst v63  }
0x58: {  	s26 =	simm.s32 $0xC100  }
0x59: {  	[tilespmem:s26], [sflag:$0x3] =	stream.indirect_vreg.gather [hbm4b:s8+s3], $0x80, v4, vm0, $0xb8;
	[tilespmem:$0x11180] =	vst v63  }
0x5a: {  	s4 =	simm.s32 $0xC900  }
0x5b: {  	[tilespmem:s4], [sflag:$0x3] =	stream.indirect_vreg.gather [hbm4b:s9+s3], $0x80, v4, vm0, $0xb8;
	[tilespmem:$0x11180] =	vst v63  }
0x5c: {  	v4 =	vld [tilespmem:$0x30];
	_ =	sdelay $0x4  }
0x5d: {  	v5 =	vshll.u32 v4, $0x3  }
0x5e: {  	v4 =	vand.u32 $0x7, v4;
	v5 =	vand.u32 $0xFFFFFFC0, v5  }
0x5f: {  	v4 =	vor.u32 v4, v5  }
0x60: {  	v5 =	vperm.xlane v4, v0;
	_ =	sdelay $0x1  }
0x61: {  	v5 =	vadd.s32 v1, v5;
	_ =	sdelay $0x4  }
0x62: {  	[tilespmem:s23], [sflag:$0x4] =	stream.indirect_vreg.gather [hbm4b:s2+s3], $0x80, v5, vm0, $0xb8;
	[tilespmem:$0x11180] =	vst v63  }
0x63: {  	s26 =	simm.s32 $0xD900;
	v4 =	vperm.xlane v4, v2  }
0x64: {  	[tilespmem:s26], [sflag:$0x4] =	stream.indirect_vreg.gather [hbm4b:s7+s3], $0x80, v5, vm0, $0xb8;
	[tilespmem:$0x11180] =	vst v63  }
0x65: {  	s4 =	simm.s32 $0xE100;
	v4 =	vadd.s32 v1, v4  }
0x66: {  	[tilespmem:s4], [sflag:$0x4] =	stream.indirect_vreg.gather [hbm4b:s8+s3], $0x80, v5, vm0, $0xb8;
	[tilespmem:$0x11180] =	vst v63  }
0x67: {  	s26 =	simm.s32 $0xE900  }
0x68: {  	[tilespmem:s26], [sflag:$0x4] =	stream.indirect_vreg.gather [hbm4b:s9+s3], $0x80, v5, vm0, $0xb8;
	[tilespmem:$0x11180] =	vst v63  }
0x69: {  	s4 =	simm.s32 $0xF100  }
0x6a: {  	[tilespmem:s4], [sflag:$0x4] =	stream.indirect_vreg.gather [hbm4b:s2+s3], $0x80, v4, vm0, $0xb8;
	[tilespmem:$0x11180] =	vst v63  }
0x6b: {  	s26 =	simm.s32 $0xF900  }
0x6c: {  	[tilespmem:s26], [sflag:$0x4] =	stream.indirect_vreg.gather [hbm4b:s7+s3], $0x80, v4, vm0, $0xb8;
	[tilespmem:$0x11180] =	vst v63  }
0x6d: {  	s29 =	simm.s32 $0x40;
	s4 =	simm.s32 $0x10100  }
0x6e: {  	[tilespmem:s4], [sflag:$0x4] =	stream.indirect_vreg.gather [hbm4b:s8+s3], $0x80, v4, vm0, $0xb8;
	[tilespmem:$0x11180] =	vst v63  }
0x6f: {  	s30 =	simm.s32 $0x6A0;
	s31 =	simm.s32 $0x0;
	s26 =	simm.s32 $0x10900  }
0x70: {  	[tilespmem:s26], [sflag:$0x4] =	stream.indirect_vreg.gather [hbm4b:s9+s3], $0x80, v4, vm0, $0xb8;
	v4 =	vimm.f32 $0.0e+00;
	[tilespmem:$0x11180] =	vst v63  }
.LBB2_2:
0x71: {  	_ =	swait.ge [sflag:s14], $0x4000  }
0x72: {  	[sflag:s14] =	ssyncset.done $0x0  }
0x73: {  	[sflag:s14] =	ssyncadd.s32 $0xFFFFC000  }
0x74: {  	v5 =	vld [tilespmem:s30+$0xFFFFFFE0];
	_ =	sdelay $0x3  }
0x75: {  	v7 =	vld [tilespmem:s29+$0xFFFFFFC0]  }
0x76: {  	v6 =	vshll.u32 v5, $0x3  }
0x77: {  	v5 =	vand.u32 $0x7F, v5;
	v6 =	vand.u32 $0xFFFFFC00, v6  }
0x78: {  	v5 =	vor.u32 v5, v6  }
0x79: {  	v5 =	vadd.s32 v3, v5;
	_ =	sdelay $0x2  }
0x7a: {  	p0 =	seq.s32 s31, $0x30000  }
0x7b: {  	s26 =	sadd.s32 s31, s12;
	s1 =	simm.s32 @!p0 $0x5;
	v6 =	vld.idx.msk [tilespmem:v7+s15+$0x0], $0xffff  }
0x7c: {  	v5 =	vld.idx.msk [tilespmem:v5+s16+$0x0], $0xffff;
	[hbm4b:s26+s3] =	stream.linear.scatter [tilespmem:s16], [sflag:$0x5], $0x4000, $0x38  }
0x7d: {  	_ =	swait.ge @!p0 [sflag:s1], $0x4000  }
0x7e: {  	[sflag:s1] =	ssyncset.done @!p0 $0x0  }
0x7f: {  	[sflag:s1] =	ssyncadd.s32 @!p0 $0xFFFFC000  }
0x80: {  	v7 =	vld @!p0 [tilespmem:s29+$0x0];
	_ =	sdelay $0x4  }
0x81: {  	v8 =	vshll.u32 @!p0 v7, $0x3  }
0x82: {  	v9 =	vlaneseq.u32 @!p0;
	v7 =	vand.u32 @!p0 $0x7, v7;
	v8 =	vand.u32 @!p0 $0xFFFFFFC0, v8  }
0x83: {  	v10 =	vor.u32 @!p0 v7, v8;
	v8 =	vand.u32 @!p0 $0x7, v9;
	v7 =	vshrl.u32 @!p0 v9, $0x3  }
0x84: {  	v11 =	vperm.xlane @!p0 v10, v8;
	v7 =	vmul.u32 @!p0 $0x8, v7;
	_ =	sdelay $0x1  }
0x85: {  	v11 =	vadd.s32 @!p0 v7, v11;
	_ =	sdelay $0x3  }
0x86: {  	vm1 =	vmmov @!p0 $0xffff;
	s4 =	simm.s32 @!p0 $0x1100;
	s1 =	simm.s32 @!p0 $0x0  }
0x87: {  	v9 =	vor.u32 @!p0 $0x8, v9;
	[tilespmem:s4], [sflag:$0x1] =	stream.indirect_vreg.gather @!p0 [hbm4b:s2+s1], $0x80, v11, vm1, $0xb8;
	[tilespmem:$0x11180] =	vst v63  }
0x88: {  	v10 =	vperm.xlane @!p0 v10, v9;
	s4 =	simm.s32 @!p0 $0x1900  }
0x89: {  	[tilespmem:s4], [sflag:$0x1] =	stream.indirect_vreg.gather @!p0 [hbm4b:s7+s1], $0x80, v11, vm1, $0xb8;
	[tilespmem:$0x11180] =	vst v63  }
0x8a: {  	v10 =	vadd.s32 @!p0 v7, v10;
	s4 =	simm.s32 @!p0 $0x2100  }
0x8b: {  	[tilespmem:s4], [sflag:$0x1] =	stream.indirect_vreg.gather @!p0 [hbm4b:s8+s1], $0x80, v11, vm1, $0xb8;
	[tilespmem:$0x11180] =	vst v63  }
0x8c: {  	s4 =	simm.s32 @!p0 $0x2900  }
0x8d: {  	[tilespmem:s4], [sflag:$0x1] =	stream.indirect_vreg.gather @!p0 [hbm4b:s9+s1], $0x80, v11, vm1, $0xb8;
	[tilespmem:$0x11180] =	vst v63  }
0x8e: {  	s4 =	simm.s32 @!p0 $0x3100  }
0x8f: {  	[tilespmem:s4], [sflag:$0x1] =	stream.indirect_vreg.gather @!p0 [hbm4b:s2+s1], $0x80, v10, vm1, $0xb8;
	[tilespmem:$0x11180] =	vst v63  }
0x90: {  	s4 =	simm.s32 @!p0 $0x3900  }
0x91: {  	[tilespmem:s4], [sflag:$0x1] =	stream.indirect_vreg.gather @!p0 [hbm4b:s7+s1], $0x80, v10, vm1, $0xb8;
	[tilespmem:$0x11180] =	vst v63  }
0x92: {  	s4 =	simm.s32 @!p0 $0x4100  }
0x93: {  	[tilespmem:s4], [sflag:$0x1] =	stream.indirect_vreg.gather @!p0 [hbm4b:s8+s1], $0x80, v10, vm1, $0xb8;
	[tilespmem:$0x11180] =	vst v63  }
0x94: {  	s4 =	simm.s32 @!p0 $0x4900  }
0x95: {  	[tilespmem:s4], [sflag:$0x1] =	stream.indirect_vreg.gather @!p0 [hbm4b:s9+s1], $0x80, v10, vm1, $0xb8;
	[tilespmem:$0x11180] =	vst v63  }
0x96: {  	_ =	swait.ge [sflag:s17], $0x4000  }
0x97: {  	[sflag:s17] =	ssyncset.done $0x0  }
0x98: {  	[sflag:s17] =	ssyncadd.s32 $0xFFFFC000  }
0x99: {  	v55 =	vld [tilespmem:s30+$0xFFFFFFF0];
	_ =	sdelay $0x3  }
0x9a: {  	v12 =	vld [tilespmem:s29+$0xFFFFFFD0]  }
0x9b: {  	v56 =	vshll.u32 v55, $0x3  }
0x9c: {  	v10 =	vand.u32 $0x7F, v55;
	v11 =	vand.u32 $0xFFFFFC00, v56  }
0x9d: {  	v10 =	vor.u32 v10, v11  }
0x9e: {  	v10 =	vadd.s32 v3, v10;
	_ =	sdelay $0x3  }
0x9f: {  	s4 =	sadd.s32 $0x800, s26;
	v57 =	vld.idx.msk [tilespmem:v12+s15+$0x0], $0xffff  }
0xa0: {  	v10 =	vld.idx.msk [tilespmem:v10+s24+$0x0], $0xffff;
	[hbm4b:s4+s3] =	stream.linear.scatter [tilespmem:s24], [sflag:$0x6], $0x4000, $0x38  }
0xa1: {  	s4 =	simm.s32 @!p0 $0x6  }
0xa2: {  	_ =	swait.ge @!p0 [sflag:s4], $0x4000  }
0xa3: {  	[sflag:s4] =	ssyncset.done @!p0 $0x0  }
0xa4: {  	[sflag:s4] =	ssyncadd.s32 @!p0 $0xFFFFC000  }
0xa5: {  	v12 =	vld @!p0 [tilespmem:s29+$0x10];
	_ =	sdelay $0x4  }
0xa6: {  	v13 =	vshll.u32 @!p0 v12, $0x3  }
0xa7: {  	v12 =	vand.u32 @!p0 $0x7, v12;
	v13 =	vand.u32 @!p0 $0xFFFFFFC0, v13  }
0xa8: {  	v12 =	vor.u32 @!p0 v12, v13  }
0xa9: {  	v13 =	vperm.xlane @!p0 v12, v8;
	_ =	sdelay $0x1  }
0xaa: {  	v13 =	vadd.s32 @!p0 v7, v13;
	_ =	sdelay $0x3  }
0xab: {  	s4 =	simm.s32 @!p0 $0x5100  }
0xac: {  	[tilespmem:s4], [sflag:$0x2] =	stream.indirect_vreg.gather @!p0 [hbm4b:s2+s1], $0x80, v13, vm1, $0xb8;
	[tilespmem:$0x11180] =	vst v63  }
0xad: {  	v12 =	vperm.xlane @!p0 v12, v9;
	s4 =	simm.s32 @!p0 $0x5900  }
0xae: {  	[tilespmem:s4], [sflag:$0x2] =	stream.indirect_vreg.gather @!p0 [hbm4b:s7+s1], $0x80, v13, vm1, $0xb8;
	[tilespmem:$0x11180] =	vst v63  }
0xaf: {  	v12 =	vadd.s32 @!p0 v7, v12;
	s4 =	simm.s32 @!p0 $0x6100  }
0xb0: {  	[tilespmem:s4], [sflag:$0x2] =	stream.indirect_vreg.gather @!p0 [hbm4b:s8+s1], $0x80, v13, vm1, $0xb8;
	[tilespmem:$0x11180] =	vst v63  }
0xb1: {  	s4 =	simm.s32 @!p0 $0x6900  }
0xb2: {  	[tilespmem:s4], [sflag:$0x2] =	stream.indirect_vreg.gather @!p0 [hbm4b:s9+s1], $0x80, v13, vm1, $0xb8;
	[tilespmem:$0x11180] =	vst v63  }
0xb3: {  	s4 =	simm.s32 @!p0 $0x7100  }
0xb4: {  	[tilespmem:s4], [sflag:$0x2] =	stream.indirect_vreg.gather @!p0 [hbm4b:s2+s1], $0x80, v12, vm1, $0xb8;
	[tilespmem:$0x11180] =	vst v63  }
0xb5: {  	s4 =	simm.s32 @!p0 $0x7900  }
0xb6: {  	[tilespmem:s4], [sflag:$0x2] =	stream.indirect_vreg.gather @!p0 [hbm4b:s7+s1], $0x80, v12, vm1, $0xb8;
	[tilespmem:$0x11180] =	vst v63  }
0xb7: {  	s4 =	simm.s32 @!p0 $0x8100  }
0xb8: {  	[tilespmem:s4], [sflag:$0x2] =	stream.indirect_vreg.gather @!p0 [hbm4b:s8+s1], $0x80, v12, vm1, $0xb8;
	[tilespmem:$0x11180] =	vst v63  }
0xb9: {  	s4 =	simm.s32 @!p0 $0x8900  }
0xba: {  	[tilespmem:s4], [sflag:$0x2] =	stream.indirect_vreg.gather @!p0 [hbm4b:s9+s1], $0x80, v12, vm1, $0xb8;
	[tilespmem:$0x11180] =	vst v63  }
0xbb: {  	_ =	swait.ge [sflag:s18], $0x4000  }
0xbc: {  	[sflag:s18] =	ssyncset.done $0x0  }
0xbd: {  	[sflag:s18] =	ssyncadd.s32 $0xFFFFC000  }
0xbe: {  	v58 =	vld [tilespmem:s30+$0x0];
	_ =	sdelay $0x3  }
0xbf: {  	v14 =	vld [tilespmem:s29+$0xFFFFFFE0]  }
0xc0: {  	v59 =	vshll.u32 v58, $0x3  }
0xc1: {  	v12 =	vand.u32 $0x7F, v58;
	v13 =	vand.u32 $0xFFFFFC00, v59  }
0xc2: {  	v12 =	vor.u32 v12, v13  }
0xc3: {  	v12 =	vadd.s32 v3, v12;
	_ =	sdelay $0x3  }
0xc4: {  	s4 =	sadd.s32 $0x1000, s26;
	v60 =	vld.idx.msk [tilespmem:v14+s15+$0x0], $0xffff  }
0xc5: {  	v12 =	vld.idx.msk [tilespmem:v12+s0+$0x0], $0xffff;
	[hbm4b:s4+s3] =	stream.linear.scatter [tilespmem:s0], [sflag:$0x7], $0x4000, $0x38  }
0xc6: {  	s4 =	simm.s32 @!p0 $0x7  }
0xc7: {  	_ =	swait.ge @!p0 [sflag:s4], $0x4000  }
0xc8: {  	[sflag:s4] =	ssyncset.done @!p0 $0x0  }
0xc9: {  	[sflag:s4] =	ssyncadd.s32 @!p0 $0xFFFFC000  }
0xca: {  	v14 =	vld @!p0 [tilespmem:s29+$0x20];
	_ =	sdelay $0x4  }
0xcb: {  	v15 =	vshll.u32 @!p0 v14, $0x3  }
0xcc: {  	v14 =	vand.u32 @!p0 $0x7, v14;
	v15 =	vand.u32 @!p0 $0xFFFFFFC0, v15  }
0xcd: {  	v14 =	vor.u32 @!p0 v14, v15  }
0xce: {  	v15 =	vperm.xlane @!p0 v14, v8;
	_ =	sdelay $0x1  }
0xcf: {  	v15 =	vadd.s32 @!p0 v7, v15;
	_ =	sdelay $0x3  }
0xd0: {  	s4 =	simm.s32 @!p0 $0x9100  }
0xd1: {  	[tilespmem:s4], [sflag:$0x3] =	stream.indirect_vreg.gather @!p0 [hbm4b:s2+s1], $0x80, v15, vm1, $0xb8;
	[tilespmem:$0x11180] =	vst v63  }
0xd2: {  	v14 =	vperm.xlane @!p0 v14, v9;
	s4 =	simm.s32 @!p0 $0x9900  }
0xd3: {  	[tilespmem:s4], [sflag:$0x3] =	stream.indirect_vreg.gather @!p0 [hbm4b:s7+s1], $0x80, v15, vm1, $0xb8;
	[tilespmem:$0x11180] =	vst v63  }
0xd4: {  	v14 =	vadd.s32 @!p0 v7, v14;
	s4 =	simm.s32 @!p0 $0xA100  }
0xd5: {  	[tilespmem:s4], [sflag:$0x3] =	stream.indirect_vreg.gather @!p0 [hbm4b:s8+s1], $0x80, v15, vm1, $0xb8;
	[tilespmem:$0x11180] =	vst v63  }
0xd6: {  	s4 =	simm.s32 @!p0 $0xA900  }
0xd7: {  	[tilespmem:s4], [sflag:$0x3] =	stream.indirect_vreg.gather @!p0 [hbm4b:s9+s1], $0x80, v15, vm1, $0xb8;
	[tilespmem:$0x11180] =	vst v63  }
0xd8: {  	s4 =	simm.s32 @!p0 $0xB100  }
0xd9: {  	[tilespmem:s4], [sflag:$0x3] =	stream.indirect_vreg.gather @!p0 [hbm4b:s2+s1], $0x80, v14, vm1, $0xb8;
	[tilespmem:$0x11180] =	vst v63  }
0xda: {  	s4 =	simm.s32 @!p0 $0xB900  }
0xdb: {  	[tilespmem:s4], [sflag:$0x3] =	stream.indirect_vreg.gather @!p0 [hbm4b:s7+s1], $0x80, v14, vm1, $0xb8;
	[tilespmem:$0x11180] =	vst v63  }
0xdc: {  	s4 =	simm.s32 @!p0 $0xC100  }
0xdd: {  	[tilespmem:s4], [sflag:$0x3] =	stream.indirect_vreg.gather @!p0 [hbm4b:s8+s1], $0x80, v14, vm1, $0xb8;
	[tilespmem:$0x11180] =	vst v63  }
0xde: {  	s4 =	simm.s32 @!p0 $0xC900  }
0xdf: {  	[tilespmem:s4], [sflag:$0x3] =	stream.indirect_vreg.gather @!p0 [hbm4b:s9+s1], $0x80, v14, vm1, $0xb8;
	[tilespmem:$0x11180] =	vst v63  }
0xe0: {  	_ =	swait.ge [sflag:s19], $0x4000  }
0xe1: {  	[sflag:s19] =	ssyncset.done $0x0  }
0xe2: {  	[sflag:s19] =	ssyncadd.s32 $0xFFFFC000  }
0xe3: {  	v61 =	vld [tilespmem:s30+$0x10];
	_ =	sdelay $0x3  }
0xe4: {  	v16 =	vld [tilespmem:s29+$0xFFFFFFF0]  }
0xe5: {  	v62 =	vshll.u32 v61, $0x3  }
0xe6: {  	v14 =	vand.u32 $0x7F, v61;
	v15 =	vand.u32 $0xFFFFFC00, v62  }
0xe7: {  	v14 =	vor.u32 v14, v15  }
0xe8: {  	v14 =	vadd.s32 v3, v14;
	_ =	sdelay $0x3  }
0xe9: {  	s26 =	sadd.s32 $0x1800, s26;
	s4 =	simm.s32 @!p0 $0x8;
	v63 =	vld.idx.msk [tilespmem:v16+s15+$0x0], $0xffff  }
0xea: {  	v14 =	vld.idx.msk [tilespmem:v14+s23+$0x0], $0xffff;
	[hbm4b:s26+s3] =	stream.linear.scatter [tilespmem:s23], [sflag:$0x8], $0x4000, $0x38  }
0xeb: {  	_ =	swait.ge @!p0 [sflag:s4], $0x4000  }
0xec: {  	[sflag:s4] =	ssyncset.done @!p0 $0x0  }
0xed: {  	[sflag:s4] =	ssyncadd.s32 @!p0 $0xFFFFC000  }
0xee: {  	v16 =	vld @!p0 [tilespmem:s29+$0x30];
	_ =	sdelay $0x4  }
0xef: {  	v17 =	vshll.u32 @!p0 v16, $0x3  }
0xf0: {  	v16 =	vand.u32 @!p0 $0x7, v16;
	v17 =	vand.u32 @!p0 $0xFFFFFFC0, v17  }
0xf1: {  	v16 =	vor.u32 @!p0 v16, v17  }
0xf2: {  	v8 =	vperm.xlane @!p0 v16, v8;
	_ =	sdelay $0x1  }
0xf3: {  	v8 =	vadd.s32 @!p0 v7, v8;
	_ =	sdelay $0x3  }
0xf4: {  	s4 =	simm.s32 @!p0 $0xD100  }
0xf5: {  	[tilespmem:s4], [sflag:$0x4] =	stream.indirect_vreg.gather @!p0 [hbm4b:s2+s1], $0x80, v8, vm1, $0xb8;
	[tilespmem:$0x11180] =	vst v63  }
0xf6: {  	v9 =	vperm.xlane @!p0 v16, v9;
	s4 =	simm.s32 @!p0 $0xD900  }
0xf7: {  	[tilespmem:s4], [sflag:$0x4] =	stream.indirect_vreg.gather @!p0 [hbm4b:s7+s1], $0x80, v8, vm1, $0xb8;
	[tilespmem:$0x11180] =	vst v63  }
0xf8: {  	v7 =	vadd.s32 @!p0 v7, v9;
	s4 =	simm.s32 @!p0 $0xE100  }
0xf9: {  	[tilespmem:s4], [sflag:$0x4] =	stream.indirect_vreg.gather @!p0 [hbm4b:s8+s1], $0x80, v8, vm1, $0xb8;
	[tilespmem:$0x11180] =	vst v63  }
0xfa: {  	s31 =	sadd.s32 @!p0 $0x2000, s31;
	s4 =	simm.s32 @!p0 $0xE900  }
0xfb: {  	[tilespmem:s4], [sflag:$0x4] =	stream.indirect_vreg.gather @!p0 [hbm4b:s9+s1], $0x80, v8, vm1, $0xb8;
	[tilespmem:$0x11180] =	vst v63  }
0xfc: {  	p1 =	sne.s32 @!p0 s31, $0x32000;
	v5 =	vsub.f32 v5, v6;
	s4 =	simm.s32 @!p0 $0xF100  }
0xfd: {  	[tilespmem:s4], [sflag:$0x4] =	stream.indirect_vreg.gather @!p0 [hbm4b:s2+s1], $0x80, v7, vm1, $0xb8;
	[tilespmem:$0x11180] =	vst v63  }
0xfe: {  	p1 =	por p0, !p1;
	v4 =	vadd.f32 v5, v4;
	v5 =	vsub.f32 v10, v57;
	s4 =	simm.s32 @!p0 $0xF900  }
0xff: {  	[tilespmem:s4], [sflag:$0x4] =	stream.indirect_vreg.gather @!p0 [hbm4b:s7+s1], $0x80, v7, vm1, $0xb8;
	[tilespmem:$0x11180] =	vst v63  }
.Ltmp0:
0x100: {  	v4 =	vadd.f32 v5, v4;
	v5 =	vsub.f32 v12, v60;
	(pc) =	sbr.rel @!p1 .LBB2_2-.Ltmp0, $4  }
0x101: {  	s4 =	simm.s32 @!p0 $0x10100  }
0x102: {  	v4 =	vadd.f32 v5, v4;
	v5 =	vsub.f32 v14, v63;
	[tilespmem:s4], [sflag:$0x4] =	stream.indirect_vreg.gather @!p0 [hbm4b:s8+s1], $0x80, v7, vm1, $0xb8;
	[tilespmem:$0x11180] =	vst v63  }
0x103: {  	s30 =	sadd.s32 @!p0 $0x40, s30;
	s29 =	sadd.s32 @!p0 $0x40, s29;
	s4 =	simm.s32 @!p0 $0x10900  }
0x104: {  	v4 =	vadd.f32 v5, v4;
	[tilespmem:s4], [sflag:$0x4] =	stream.indirect_vreg.gather @!p0 [hbm4b:s9+s1], $0x80, v7, vm1, $0xb8;
	[tilespmem:$0x11180] =	vst v63  }
0x105: {  	_ =	swait.ge [sflag:s20], $0x4000  }
0x106: {  	[sflag:s20] =	ssyncset.done $0x0  }
0x107: {  	[sflag:s20] =	ssyncadd.s32 $0xFFFFC000  }
0x108: {  	_ =	swait.ge [sflag:s21], $0x4000  }
0x109: {  	[sflag:s21] =	ssyncset.done $0x0  }
0x10a: {  	[sflag:s21] =	ssyncadd.s32 $0xFFFFC000  }
0x10b: {  	_ =	swait.ge [sflag:s22], $0x4000  }
0x10c: {  	[sflag:s22] =	ssyncset.done $0x0  }
0x10d: {  	[sflag:s22] =	ssyncadd.s32 $0xFFFFC000  }
0x10e: {  	_ =	swait.ge [sflag:s25], $0x4000  }
0x10f: {  	s28 =	sadd.s32 $0x1, s28;
	[sflag:s25] =	ssyncset.done $0x0  }
0x110: {  	p0 =	sne.s32 s28, s11;
	[sflag:s25] =	ssyncadd.s32 $0xFFFFC000  }
.Ltmp1:
0x111: {  	s1 =	simm.s32 $0x11100;
	[tilespmem:$0x11100] =	vst v4;
	(pc) =	sbr.rel @p0 .LBB2_1-.Ltmp1, $4  }
0x112: {  	[hbm4b:s10+s3] =	stream.linear.scatter [tilespmem:s1], [sflag:$0x9], $0x10, $0x38;
	[tilespmem:$0x11180] =	vst v63  }
0x113: {  	_ =	swait.ge [sflag:s13], $0x10  }
0x114: {  	[sflag:s13] =	ssyncset.done $0x0  }
0x115: {  	[sflag:s13] =	ssyncadd.s32 $0xFFFFFFF0  }
0x116: {  	_ =	sfence.sel $0x180000  }
0x117: {  	[bflag:$0x0] =	sbarrier.arrive $0xFFFF  }
0x118: {  	_ =	strace $0x90000047  }
0x119: {  	s0 =	stileid.u32;
	[bflag:$0x2] =	sbarrier.arrive $0xFFFF  }
0x11a: {  	p0 =	sne.s32 s0, $0x0;
	s0 =	rddreg [dreg:$0x2]  }
0x11b: {  	s0 =	sadd.s32 @!p0 $0x100000, s0  }
0x11c: {  	[sflag:s0] =	ssyncadd.tile.s32 @!p0 $0x1;
	_ =	shalt  }
.Lfunc_end2:
_tile_overlayer_lowered:
.L_overlay_start_2:
0x11d: {  	(tag) =	ssettag $0x2  }
0x11e: {  	s0 =	rddreg [dreg:$0x0];
	s2 =	stileid.u32  }
0x11f: {  	s1 =	rddreg [dreg:$0x1];
	p0 =	sne.s32 s2, $0x0  }
0x120: {  	s3 =	rddreg [dreg:$0x2];
	[bflag:$0x3] =	sbarrier.arrive $0xFFFF;
	s2 =	simm.s32 @!p0 $0x1C09  }
0x121: {  	[timem:s3], [sflag:s2] =	dma.local @!p0 [hbm:s0], s1  }
0x122: {  	s0 =	simm.s32 @!p0 $0x9  }
0x123: {  	_ =	swait.ge @!p0 [sflag:s0], s1  }
0x124: {  	s1 =	ssub.s32 @!p0 $0x0, s1;
	[sflag:s0] =	ssyncset.done @!p0 $0x0  }
0x125: {  	[sflag:s0] =	ssyncadd.s32 @!p0 s1  }
0x126: {  	[bflag:$0x3] =	sbarrier.arrive $0xFFFF  }
0x127: {  	_ =	shalt  }

// kernel: sparse-core-data-format-call.cloned.1.call-start
scs
called_computation_lowered:
.L_overlay_start_0:
0x0: {  	s2 =	sld [smem:$0x3FD9]  }
0x1: {  	s3 =	sld [smem:$0x3FFE];
	_ =	sdelay $0x1  }
0x2: {  	s1 =	srdreg.scid  }
0x3: {  	s0 =	sand.u32 $0x1, s1  }
0x4: {  	s15 =	sshll.u32 s0, $0xA;
	s2 =	sadd.s32 s3, s2  }
0x5: {  	s2 =	sadd.s32 s2, s15  }
0x6: {  	[smem:$0x3FC5] =	sst s2  }
0x7: {  	_ = 	snop  }
0x8: {  	s2 =	sld [smem:$0x3FD0];
	_ =	sdelay $0x2  }
0x9: {  	s16 =	simm.s32 $0xA;
	s4 =	simm.s32 $0x10  }
0xa: {  	[smem:s4], [sflag:s16] =	dma.local [hbm:s2], $0x1  }
0xb: {  	_ =	swait.eq [sflag:s16], $0x1  }
0xc: {  	[sflag:s16] =	ssyncset.done $0x0  }
0xd: {  	[sflag:s16] =	ssyncadd.s32 $0xFFFFFFFF  }
0xe: {  	s17 =	sld [smem:$0x10];
	(tm) =	ssettm $0x1  }
0xf: {  	s18 =	sld [smem:$0x3FFB];
	_ =	sdelay $0x3  }
0x10: {  	_ =	strace s18  }
0x11: {  	s3 =	sld [smem:$0x3FFC];
	_ =	sdelay $0x3  }
0x12: {  	_ =	strace s3  }
0x13: {  	s3 =	sld [smem:$0x3FFD];
	_ =	sdelay $0x3  }
0x14: {  	_ =	strace s3  }
0x15: {  	_ =	strace $0x8FFFFFFF  }
0x16: {  	s19 =	sld [smem:$0x3FDB];
	_ =	sdelay $0x1  }
0x17: {  	s20 =	simm.s32 $_scs_section_size  }
0x18: {  	s5 =	simm.s32 $_size__tile_overlayer_lowered;
	s6 =	simm.s32 $_tile_overlayer_lowered  }
0x19: {  	s23 =	simm.s32 $0x1BFF;
	s22 =	sshll.u32 s6, $0x1;
	s3 =	sadd.s32 s20, s19  }
0x1a: {  	s7 =	simm.s32 $0x0;
	s21 =	sshll.u32 s5, $0x1;
	s5 =	sadd.s32 s22, s3  }
0x1b: {  	[timem:s7], [sflag:s23] =	dma.local [hbm:s5], s21  }
0x1c: {  	_ =	swait.ge [sflag:s23], s21  }
0x1d: {  	s4 =	ssub.s32 $0x0, s21;
	[sflag:s23] =	ssyncset.done $0x0  }
0x1e: {  	[sflag:s23] =	ssyncadd.s32 s4;
	_ =	sdelay $0x1  }
0x1f: {  	s24 =	simm.s32 $0x1B8B  }
0x20: {  	_ =	swait.ge [sflag:s24], $0x1  }
0x21: {  	[sflag:s24] =	ssyncset.done $0x0  }
0x22: {  	s26 =	simm.s32 $0x1B8E;
	s25 =	sld [smem:$0x3FFE];
	[sflag:s24] =	ssyncadd.s32 $0xFFFFFFFF  }
0x23: {  	s27 =	simm.s32 $execute0_lowered;
	[smem:$0x3FD2] =	sst s26  }
0x24: {  	s5 =	sshll.u32 s27, $0x1;
	_ =	strace $0x80000049;
	[dreg:$0x1] =	wrdreg $0xFFFFFFFF  }
0x25: {  	s28 =	simm.s32 $_size_execute0_lowered;
	s3 =	sadd.s32 s3, s5;
	[dreg:$0x0] =	wrdreg $0x0  }
0x26: {  	s5 =	sshll.u32 s28, $0x1;
	[dreg:$0x2] =	wrdreg s3  }
0x27: {  	[dreg:$0x3] =	wrdreg s5  }
0x28: {  	[dreg:$0x4] =	wrdreg $0xC0  }
0x29: {  	_ =	task [dreg:s7], $0x5FFFF  }
0x2a: {  	[dreg:$0x1] =	wrdreg $0xFFFFFFFF  }
0x2b: {  	[dreg:$0x0] =	wrdreg $0x60  }
0x2c: {  	[dreg:$0x2] =	wrdreg s25  }
0x2d: {  	[dreg:$0x3] =	wrdreg s17  }
0x2e: {  	[dreg:$0x4] =	wrdreg $0x9  }
0x2f: {  	_ =	task.clear_ibuf [dreg:s7], $0x5FFFF;
	_ =	strace $0x90000049  }
0x30: {  	s29 =	simm.s32 $0x9;
	_ =	strace $0x8000004B  }
0x31: {  	_ =	swait.ge [sflag:s29], $0x1  }
0x32: {  	[sflag:s29] =	ssyncadd.s32 $0xFFFFFFFF  }
0x33: {  	_ =	strace $0x9000004B  }
0x34: {  	_ =	sfence  }
0x35: {  	s30 =	sld [smem:$0x0];
	_ =	sdelay $0x2  }
0x36: {  	s31 =	sshll.u32 s1, $0xD;
	s1 =	sshrl.u32 s1, $0x2  }
0x37: {  	s3 =	sand.u32 $0x4000, s31;
	s1 =	sadd.s32 s1, s30  }
0x38: {  	s0 =	sor.u32 s3, s0;
	s1 =	sshll.u32 s1, $0x11  }
0x39: {  	s0 =	sor.u32 s1, s0  }
0x3a: {  	s0 =	sadd.s32 $0x8F2B, s0  }
0x3b: {  	[sflag:s0] =	ssyncadd.remote.s32 $0x1  }
0x3c: {  	_ =	sfence.sel $0xFFFF  }
0x3d: {  	[dreg:$0x0] =	wrdreg $0xFFFFFFFF;
	(pc) =	sbr.abs _section_cstart, $3  }
0x3e: {  	[dreg:$0x1] =	wrdreg $0xFFFFFFFF  }
0x3f: {  	_ =	task.clear_ibuf [dreg:s7], $0x2FFFF;
	_ =	strace $0x9FFFFFFF  }
0x40: {  	(tm) =	ssettm $0x7FFFFFFF  }
0x41: {  	_ =	shalt  }
tec
execute0_lowered:
.L_overlay_start_1:
0x0: {  	(tag) =	ssettag $0x1  }
0x1: {  	s4 =	rddreg [dreg:$0x0]  }
0x2: {  	s2 =	rddreg [dreg:$0x1];
	s1 =	stileid.u32  }
0x3: {  	s3 =	srdreg.scid;
	s0 =	rddreg [dreg:$0x2];
	_ =	strace $0x8000004A  }
0x4: {  	s10 =	simm.s32 $0x2;
	s14 =	simm.s32 $0x0;
	s16 =	simm.s32 $0x0  }
0x5: {  	s12 =	simm.s32 $0x0;
	s15 =	simm.s32 $0x0;
	s3 =	sshll.u32 s3, $0x4  }
0x6: {  	s5 =	sshll.u32 s1, $0x7;
	s4 =	sadd.s32 $0x4400, s4;
	s6 =	sand.u32 $0x10, s3  }
0x7: {  	s3 =	sand.u32 $0x180, s5;
	s5 =	simm.s32 $0x1;
	s8 =	sor.u32 s1, s6  }
0x8: {  	s31 =	ssub.s32 $0xC800, s3;
	[sflag:s5] =	ssyncpa.u1 $0x0;
	s13 =	smov.u32 s3  }
.Ltmp0:
0x9: {  	s7 =	sshll.u32 s8, $0x5;
	s9 =	sand.u32 $0x180, s31;
	(pc) =	sbr.rel .LBB1_1-.Ltmp0, $4  }
0xa: {  	s11 =	sshrl.u32 s31, $0x9;
	p0 =	sne.s32 s9, $0x0;
	s9 =	simm.s32 $0x1  }
0xb: {  	[sflag:s10] =	ssyncpa.u1 $0x0;
	s8 =	sshll.u32 s8, $0x8;
	s9 =	simm.s32 @!p0 $0x0  }
0xc: {  	s10 =	simm.s32 $0x64000;
	s6 =	sand.u32 $0x380, s7;
	s7 =	sadd.s32 s9, s11  }
0xd: {  	p0 =	por $0x0, $0x0;
	s11 =	simm.s32 $0x0;
	s9 =	sadd.s32 $0x1, s7  }
.LBB1_4:
0xe: {  	s22 =	sshrl.u32 s11, $0x3  }
0xf: {  	s23 =	sshll.u32 s12, $0x3;
	s24 =	sand.u32 $0x7F, s12;
	s22 =	smul.u32 $0x64000, s22  }
0x10: {  	v5 =	vld [tilespmem:s18+$0xFFFFFFD0];
	s21 =	sshra.s32 s21, $0x2;
	s25 =	sshra.s32 s12, $0x1F;
	s23 =	sand.u32 $0xFFFFFC00, s23  }
0x11: {  	[tilespmem:s20+$0x2040 ss:$0x81] =	vst.msk $0xffff, v4;
	v58 =	vld [tilespmem:s18+$0xFFFFFFE0];
	p1 =	sgt.s32 s12, $0xC780;
	s25 =	sand.u32 s25, s12;
	s22 =	sadd.s32 s23, s22  }
0x12: {  	[tilespmem:s20+$0x2850 ss:$0x81] =	vst.msk $0xffff, v3;
	v59 =	vld [tilespmem:s18+$0xFFFFFFF0];
	s23 =	sor.u32 s24, s22;
	s22 =	smulhi.u32 $0x51EB851F, s22;
	s24 =	smov.u32 s12  }
0x13: {  	[tilespmem:s20+$0x3060 ss:$0x81] =	vst.msk $0xffff, v2;
	v60 =	vld [tilespmem:s18+$0x0];
	s19 =	sadd.s32 s21, s19;
	s26 =	smulhi.u32 $0x51EB851F, s23;
	s24 =	simm.s32 @!p1 $0xC780  }
0x14: {  	[tilespmem:s20+$0x0 ss:$0x81] =	vst.msk $0xffff, v0;
	v61 =	vld [tilespmem:s18+$0x10];
	p1 =	sgt.s32 s11, $0x368;
	s28 =	sshrl.u32 s22, $0xE;
	s29 =	ssub.s32 s24, s25  }
0x15: {  	[tilespmem:s19+$0x3870 ss:$0x81] =	vst.msk $0xffff, v1;
	s30 =	sshrl.u32 s26, $0xE;
	s31 =	smulhi.u32 $0x418938, s28;
	s25 =	sadd.s32 $0xFFFF3880, s29  }
0x16: {  	v62 =	vld [tilespmem:s18+$0x20];
	[tilespmem:s19+$0x810 ss:$0x81] =	vst.msk $0xffff, v5;
	s22 =	smul.u32 $0xC800, s30;
	p2 =	sgt.s32 s25, $0x7F;
	s25 =	smov.u32 s11  }
0x17: {  	v63 =	vld [tilespmem:s18+$0xFFFFFFC0];
	[tilespmem:s19+$0x1020 ss:$0x81] =	vst.msk $0xffff, v58;
	s21 =	ssub.s32 $0xC800, s29;
	s25 =	simm.s32 @!p1 $0x368;
	s26 =	smul.u32 $0x3E8, s31  }
0x18: {  	[tilespmem:s19+$0x1830 ss:$0x81] =	vst.msk $0xffff, v59;
	s21 =	simm.s32 @p2 $0x0;
	s27 =	ssub.s32 $0x3E8, s25  }
0x19: {  	[tilespmem:s19+$0x2040 ss:$0x81] =	vst.msk $0xffff, v60;
	s22 =	ssub.s32 s23, s22;
	s18 =	ssub.s32 s28, s26;
	s28 =	smul.u32 s27, s21  }
0x1a: {  	[tilespmem:s19+$0x2850 ss:$0x81] =	vst.msk $0xffff, v61;
	s29 =	sshrl.u32 s22, $0x3;
	s22 =	sand.u32 $0x7, s22;
	s18 =	smul.u32 $0x1900, s18  }
0x1b: {  	[tilespmem:s19+$0x3060 ss:$0x81] =	vst.msk $0xffff, v62;
	s21 =	sadd.s32 s2, s29;
	s22 =	sshll.u32 s22, $0x12  }
0x1c: {  	[tilespmem:s19+$0x0 ss:$0x81] =	vst.msk $0xffff, v63;
	s30 =	sand.u32 $0x3FFFFFF8, s28;
	s31 =	sor.u32 $0x400, s22;
	s18 =	sadd.s32 s18, s21  }
0x1d: {  	[hbm4b:s18+s31] =	stream.strided.scatter [tilespmem:s17], [sflag:$0x2], s30, s10, s31, $0x20;
	[tilespmem:$0x10100] =	vst v63  }
.LBB1_5:
0x1e: {  	p1 =	slt.u32 s15, $0x2  }
0x1f: {  	p2 =	sgt.s32 @!p1 s16, $0xC780  }
0x20: {  	s17 =	smov.u32 s16;
	s18 =	sshra.s32 @!p1 s16, $0x1F;
	p2 =	por !p2, p1  }
0x21: {  	s16 =	sand.u32 @!p1 s18, s16;
	s17 =	simm.s32 @p2 $0xC780  }
0x22: {  	s16 =	ssub.s32 @!p1 s17, s16  }
0x23: {  	p2 =	sgt.s32 @!p1 s14, $0x368;
	s17 =	sadd.s32 @!p1 $0xFFFF3880, s16  }
0x24: {  	s18 =	sadd.s32 $0x200, s13;
	p2 =	por !p2, p1;
	p3 =	sgt.s32 @!p1 s17, $0x7F  }
0x25: {  	s14 =	simm.s32 @p2 $0x368;
	s16 =	ssub.s32 @!p1 $0xC800, s16;
	p2 =	por !p3, p1  }
0x26: {  	s14 =	ssub.s32 @!p1 $0x3E8, s14;
	s16 =	simm.s32 @!p2 $0x0;
	p2 =	sgt.s32 s18, $0xC7FF  }
0x27: {  	s14 =	smul.u32 @!p1 s14, s16;
	s18 =	smov.u32 @p2 s3;
	p2 =	sne.s32 s15, s9  }
.Ltmp1:
0x28: {  	s20 =	sadd.s32 $0x1, s15;
	p0 =	por !p0, !p0;
	(pc) =	sbr.rel @!p2 .LBB1_6-.Ltmp1, $4  }
0x29: {  	s17 =	simm.s32 @!p1 $0x2;
	s16 =	smov.u32 s12;
	s14 =	sand.u32 @!p1 $0x3FFFFFFF, s14  }
0x2a: {  	s12 =	smov.u32 s13;
	s15 =	smov.u32 s20;
	_ =	swait.ge @!p1 [sflag:s17], s14  }
0x2b: {  	s13 =	smov.u32 s18;
	s19 =	ssub.s32 @!p1 $0x0, s14;
	[sflag:s17] =	ssyncset.done @!p1 $0x0  }
0x2c: {  	s14 =	smov.u32 s11;
	s11 =	smov.u32 s6;
	[sflag:s17] =	ssyncadd.s32 @!p1 s19  }
.LBB1_1:
0x2d: {  	p1 =	sge.u32 s15, s7  }
0x2e: {  	s17 =	sshll.u32 @!p1 s13, $0xA  }
0x2f: {  	s17 =	sand.u32 @!p1 $0xFFFFE000, s17  }
0x30: {  	s17 =	sor.u32 @!p1 s8, s17  }
0x31: {  	s17 =	sshrl.u32 @!p1 s17, $0xA  }
0x32: {  	s18 =	smulhi.u32 @!p1 $0x28F5C3, s17;
	_ =	sdelay $0x1  }
0x33: {  	s18 =	sshrl.u32 @!p1 s18, $0x5  }
0x34: {  	s18 =	smul.u32 @!p1 $0xC800, s18  }
0x35: {  	s31 =	sadd.s32 $0xFFFFFFFF, s15;
	s19 =	sxor.u32 @!p1 $0xFFFFFFFF, s15;
	s20 =	sshll.u32 @!p1 s13, $0x4  }
0x36: {  	s19 =	sshll.u32 @!p1 s19, $0xE;
	s17 =	ssub.s32 @!p1 s17, s18;
	s18 =	sand.u32 @!p1 $0x70, s20  }
0x37: {  	s19 =	sand.u32 @!p1 $0x4000, s19;
	s17 =	sshll.u32 @!p1 s17, $0x7;
	s18 =	sadd.s32 @!p1 s4, s18  }
0x38: {  	s20 =	simm.s32 @!p1 $0x2000;
	s17 =	sadd.s32 @!p1 s17, s18;
	s18 =	simm.s32 @!p1 $0x400  }
0x39: {  	[tilespmem:s19], [sflag:$0x1] =	stream.strided.gather @!p1 [hbm4b:s17+s18], $0x4000, s20, s18, $0x38;
	[tilespmem:$0x10100] =	vst v63  }
0x3a: {  	p1 =	sge.u32 s31, s7  }
.Ltmp2:
0x3b: {  	_ = 	snop;
	(pc) =	sbr.rel @p1 .LBB1_5-.Ltmp2, $1  }
0x3c: {  	_ =	sdelay $0x3  }
0x3d: {  	s17 =	simm.s32 $0x1  }
0x3e: {  	_ =	swait.ge [sflag:s5], $0x4000;
	s17 =	simm.s32 @!p0 $0x0  }
0x3f: {  	[sflag:s5] =	ssyncset.done $0x0;
	s18 =	sshll.u32 s17, $0xE  }
0x40: {  	[sflag:s5] =	ssyncadd.s32 $0xFFFFC000;
	s18 =	sor.u32 $0x40, s18  }
0x41: {  	s17 =	smul.u32 $0x10200, s17;
	v0 =	vld [tilespmem:s18+$0x30]  }
0x42: {  	v1 =	vld [tilespmem:s18+$0xFFFFFFD0]  }
0x43: {  	s17 =	sshrl.u32 s17, $0x2;
	v5 =	vld [tilespmem:s18+$0xFFFFFFE0]  }
0x44: {  	v6 =	vld [tilespmem:s18+$0xFFFFFFF0];
	s19 =	sor.u32 $0x8000, s17  }
0x45: {  	s31 =	sand.u32 $0x1, s15;
	v4 =	vld [tilespmem:s18+$0x0];
	s20 =	sadd.s32 $0x0, s19  }
0x46: {  	v3 =	vld [tilespmem:s18+$0x10];
	s17 =	smul.u32 $0x10200, s31;
	[tilespmem:s20+$0x3870 ss:$0x81] =	vst.msk $0xffff, v0  }
0x47: {  	v2 =	vld [tilespmem:s18+$0x20];
	[tilespmem:s20+$0x810 ss:$0x81] =	vst.msk $0xffff, v1  }
0x48: {  	s17 =	sshrl.u32 s17, $0x2;
	v0 =	vld [tilespmem:s18+$0xFFFFFFC0];
	[tilespmem:s20+$0x1020 ss:$0x81] =	vst.msk $0xffff, v5;
	s18 =	sadd.s32 $0x80, s18  }
0x49: {  	s21 =	simm.s32 $0x4;
	s22 =	simm.s32 $0x8;
	s17 =	sor.u32 $0x8000, s17;
	[tilespmem:s20+$0x1830 ss:$0x81] =	vst.msk $0xffff, v6;
	v1 =	vld [tilespmem:s18+$0x30]  }
.LBB1_3:
0x4a: {  	p1 =	sne.s32 s22, $0x1FC;
	v5 =	vld [tilespmem:s18+$0xFFFFFFD0];
	[tilespmem:s20+$0x2040 ss:$0x81] =	vst.msk $0xffff, v4  }
0x4b: {  	v6 =	vld [tilespmem:s18+$0xFFFFFFE0];
	[tilespmem:s20+$0x2850 ss:$0x81] =	vst.msk $0xffff, v3  }
0x4c: {  	s23 =	sshra.s32 s21, $0x2;
	s21 =	smov.u32 s22;
	v7 =	vld [tilespmem:s18+$0xFFFFFFF0];
	[tilespmem:s20+$0x3060 ss:$0x81] =	vst.msk $0xffff, v2  }
.Ltmp3:
0x4d: {  	v4 =	vld [tilespmem:s18+$0x0];
	[tilespmem:s20+$0x0 ss:$0x81] =	vst.msk $0xffff, v0;
	s20 =	sadd.s32 s23, s19;
	(pc) =	sbr.rel @p1 .LBB1_3-.Ltmp3, $4  }
0x4e: {  	v3 =	vld [tilespmem:s18+$0x10];
	[tilespmem:s20+$0x3870 ss:$0x81] =	vst.msk $0xffff, v1  }
0x4f: {  	[tilespmem:s20+$0x810 ss:$0x81] =	vst.msk $0xffff, v5;
	v2 =	vld [tilespmem:s18+$0x20]  }
0x50: {  	v0 =	vld [tilespmem:s18+$0xFFFFFFC0];
	[tilespmem:s20+$0x1020 ss:$0x81] =	vst.msk $0xffff, v6;
	s18 =	sadd.s32 $0x80, s18  }
0x51: {  	s22 =	sadd.s32 $0x4, s22;
	v1 =	vld [tilespmem:s18+$0x30];
	[tilespmem:s20+$0x1830 ss:$0x81] =	vst.msk $0xffff, v7  }
.Ltmp4:
0x52: {  	_ = 	snop;
	(pc) =	sbr.rel .LBB1_4-.Ltmp4, $1  }
0x53: {  	_ =	sdelay $0x3  }
.LBB1_6:
0x54: {  	_ =	sfence.sel $0x180000  }
0x55: {  	s2 =	simm.s32 $0x1;
	[bflag:$0x0] =	sbarrier.arrive $0xFFFF  }
0x56: {  	s31 =	simm.s32 $0x2;
	[sflag:s2] =	ssyncpa.u1 $0x1  }
0x57: {  	[sflag:s31] =	ssyncpa.u1 $0x1  }
0x58: {  	p0 =	sne.s32 s1, $0x0;
	_ =	strace $0x9000004A  }
0x59: {  	s0 =	sadd.s32 @!p0 $0x100000, s0;
	[bflag:$0x2] =	sbarrier.arrive $0xFFFF  }
0x5a: {  	[sflag:s0] =	ssyncadd.tile.s32 @!p0 $0x1;
	_ =	shalt  }
.Lfunc_end1:
_tile_overlayer_lowered:
.L_overlay_start_2:
0x5b: {  	(tag) =	ssettag $0x2  }
0x5c: {  	s0 =	rddreg [dreg:$0x0];
	s2 =	stileid.u32  }
0x5d: {  	s1 =	rddreg [dreg:$0x1];
	p0 =	sne.s32 s2, $0x0  }
0x5e: {  	s3 =	rddreg [dreg:$0x2];
	[bflag:$0x3] =	sbarrier.arrive $0xFFFF;
	s2 =	simm.s32 @!p0 $0x1C01  }
0x5f: {  	[timem:s3], [sflag:s2] =	dma.local @!p0 [hbm:s0], s1  }
0x60: {  	s0 =	simm.s32 @!p0 $0x1  }
0x61: {  	_ =	swait.ge @!p0 [sflag:s0], s1  }
0x62: {  	s1 =	ssub.s32 @!p0 $0x0, s1;
	[sflag:s0] =	ssyncset.done @!p0 $0x0  }
0x63: {  	[sflag:s0] =	ssyncadd.s32 @!p0 s1  }
0x64: {  	[bflag:$0x3] =	sbarrier.arrive $0xFFFF  }
0x65: {  	_ =	shalt  }

</sc_bundles>
